<compile_context>
chip_gen: v7x
topology: tpu7x:2x2x1
jax: 0.10.2.dev20260603
libtpu: 0.0.44.dev20260713+nightly
codegen_flags: <defaults>
</compile_context>

<pallas_src>
import functools

import jax
import jax.numpy as jnp
from jax import lax
from jax.experimental import pallas as pl
from jax.experimental.pallas import tpu as pltpu
from jax.experimental.pallas import tpu_sc as plsc

BATCH = 16384
EMBED_DIM = 64
N_ROWS = 100000
NC = 2
NS = 16
LANES = 16
NW = NC * NS
DPW = EMBED_DIM // NW
IDC = 8192
NIDC = BATCH // IDC
BPW = BATCH // NW


def _partials_body(uid_hbm, iid_hbm, uet_hbm, iet_hbm,
                   part_hbm,
                   row_v, tmp_v, idc_v):
    wid = lax.axis_index("s") * NC + lax.axis_index("c")

    for dd in range(DPW):
        d = wid * DPW + dd

        pltpu.sync_copy(uet_hbm.at[d], row_v)
        for c in range(NIDC):
            pltpu.sync_copy(uid_hbm.at[pl.ds(c * IDC, IDC)], idc_v)

            def u_sub(k, carry2, c=c):
                uidv = idc_v[pl.ds(k * LANES, LANES)]
                g = plsc.load_gather(row_v, [uidv])
                tmp_v[0, pl.ds(c * IDC + k * LANES, LANES)] = g
                return carry2

            lax.fori_loop(0, IDC // LANES, u_sub, 0, unroll=4)

        pltpu.sync_copy(iet_hbm.at[d], row_v)
        for c in range(NIDC):
            pltpu.sync_copy(iid_hbm.at[pl.ds(c * IDC, IDC)], idc_v)

            def i_sub(k, carry2, c=c):
                iidv = idc_v[pl.ds(k * LANES, LANES)]
                g = plsc.load_gather(row_v, [iidv])
                off = c * IDC + k * LANES
                tmp_v[0, pl.ds(off, LANES)] = g * tmp_v[0, pl.ds(off, LANES)]
                return carry2

            lax.fori_loop(0, IDC // LANES, i_sub, 0, unroll=4)
            pltpu.sync_copy(
                tmp_v.at[:, pl.ds(c * IDC, IDC)],
                part_hbm.at[pl.ds(d, 1), pl.ds(c * IDC, IDC)])


_partials_kernel = functools.partial(
    pl.kernel,
    out_type=jax.ShapeDtypeStruct((EMBED_DIM, BATCH), jnp.float32),
    mesh=plsc.VectorSubcoreMesh(core_axis_name="c", subcore_axis_name="s"),
    compiler_params=pltpu.CompilerParams(
        use_tc_tiling_on_sc=True, needs_layout_passes=False),
    scratch_types=[
        pltpu.VMEM((N_ROWS,), jnp.float32),
        pltpu.VMEM((1, BATCH), jnp.float32),
        pltpu.VMEM((IDC,), jnp.int32),
    ],
)(_partials_body)


def _combine_body(part_hbm, gb_hbm, out_hbm, buf_v, gb_v, ob_v):
    wid = lax.axis_index("s") * NC + lax.axis_index("c")
    base = wid * BPW
    pltpu.sync_copy(part_hbm.at[:, pl.ds(base, BPW)], buf_v)
    pltpu.sync_copy(gb_hbm, gb_v)
    gb = gb_v[...]

    def sub(j, carry):
        acc = jnp.zeros((LANES,), jnp.float32)
        for d in range(EMBED_DIM):
            acc = acc + buf_v[d, pl.ds(j * LANES, LANES)]
        d_ = acc + gb
        ob_v[pl.ds(j * LANES, LANES)] = 1.0 / (1.0 + jnp.exp(-d_))
        return carry

    lax.fori_loop(0, BPW // LANES, sub, 0)
    pltpu.sync_copy(ob_v, out_hbm.at[pl.ds(base, BPW)])


_combine_kernel = functools.partial(
    pl.kernel,
    out_type=jax.ShapeDtypeStruct((BATCH,), jnp.float32),
    mesh=plsc.VectorSubcoreMesh(core_axis_name="c", subcore_axis_name="s"),
    compiler_params=pltpu.CompilerParams(use_tc_tiling_on_sc=True),
    scratch_types=[
        pltpu.VMEM((EMBED_DIM, BPW), jnp.float32),
        pltpu.VMEM((LANES,), jnp.float32),
        pltpu.VMEM((BPW,), jnp.float32),
    ],
)(_combine_body)


def kernel(inputs, user_embedding, item_embedding, user_bias, item_bias,
           global_bias):
    uid = inputs[:, 0].astype(jnp.int32)
    iid = inputs[:, 1].astype(jnp.int32)
    gb = jnp.broadcast_to(jnp.reshape(global_bias, (1,)), (LANES,))
    partials = _partials_kernel(uid, iid, user_embedding.T, item_embedding.T)
    return _combine_kernel(partials, gb)

# --- scband reference (transcript-rebuilt; emitter-appended) ---
"""Pipeline reference for scband-matrix-factorization-18605798326897 (READ-ONLY COPY).

The authoritative reference and input builder live on the scoring server;
editing this copy changes nothing except your own understanding.
"""

import jax, jax.numpy as jnp
import numpy as np

N_USERS = 100000
N_ITEMS = 100000
EMBED_DIM = 64
BATCH = 16384


def setup_inputs(seed: int = 0) -> dict:
    key = jax.random.key(seed)
    k_inp, k_ue, k_ie = jax.random.split(key, 3)
    inputs = jax.random.randint(k_inp, (BATCH, 2), 0, N_USERS, dtype=jnp.int64)
    # he_normal for embeddings: stddev = sqrt(2 / fan_in); Keras Embedding fan_in = embedding_dim
    std = np.sqrt(2.0 / EMBED_DIM)
    user_embedding = jax.random.normal(k_ue, (N_USERS, EMBED_DIM), dtype=jnp.float32) * std
    item_embedding = jax.random.normal(k_ie, (N_ITEMS, EMBED_DIM), dtype=jnp.float32) * std
    user_bias = jnp.zeros((N_USERS, 1), dtype=jnp.float32)
    item_bias = jnp.zeros((N_ITEMS, 1), dtype=jnp.float32)
    global_bias = jnp.array(0.0, dtype=jnp.float32)
    return {
        "inputs": inputs,
        "user_embedding": user_embedding,
        "item_embedding": item_embedding,
        "user_bias": user_bias,
        "item_bias": item_bias,
        "global_bias": global_bias,
    }


def reference(inputs, user_embedding, item_embedding, user_bias, item_bias, global_bias):
    user_ids = inputs[:, 0]
    item_ids = inputs[:, 1]
    user_emb = jnp.take(user_embedding, user_ids, axis=0)   # [B, D]
    item_emb = jnp.take(item_embedding, item_ids, axis=0)   # [B, D]
    dot = jnp.sum(user_emb * item_emb, axis=1)              # [B]
    u_bias = jnp.squeeze(jnp.take(user_bias, user_ids, axis=0), axis=1)  # [B]
    i_bias = jnp.squeeze(jnp.take(item_bias, item_ids, axis=0), axis=1)  # [B]
    return jax.nn.sigmoid(dot + u_bias + i_bias + global_bias)

if __name__ == "__main__":
    import jax
    _d = setup_inputs()
    print(jax.jit(kernel)(*tuple(_d.values())))

</pallas_src>

<mosaic_0001>
#map = affine_map<(d0, d1) -> (0)>
#map1 = affine_map<(d0, d1) -> (0, 0)>
module attributes {stable_mosaic.version = 14 : i64} {
  func.func @_partials_body(%arg0: i32, %arg1: i32, %arg2: memref<16384xi32, #tpu.memory_space<hbm>>, %arg3: memref<16384xi32, #tpu.memory_space<hbm>>, %arg4: memref<64x100000xf32, #tpu.memory_space<hbm>>, %arg5: memref<64x100000xf32, #tpu.memory_space<hbm>>, %arg6: memref<64x16384xf32, #tpu.memory_space<hbm>>, %arg7: memref<100000xf32, #tpu.memory_space<vmem>>, %arg8: memref<1x16384xf32, #tpu.memory_space<vmem>>, %arg9: memref<8192xi32, #tpu.memory_space<vmem>>) attributes {dimension_semantics = [#tpu.dimension_semantics<core_parallel>, #tpu.dimension_semantics<subcore_parallel>], iteration_bounds = array<i64: 2, 16>, scalar_prefetch = 0 : i64, scratch_operands = 3 : i64, tpu.core_type = #tpu.core_type<sc_vector_subcore>, window_params = [{transform_indices = #map}, {transform_indices = #map}, {transform_indices = #map1}, {transform_indices = #map1}, {transform_indices = #map1}]} {
    %mul3A = arith.constant 2 : i32
    %mul3A_0 = arith.muli %arg1, %mul3A : i32
    %add3A = arith.addi %mul3A_0, %arg0 : i32
    %mul3A_1 = arith.constant 2 : i32
    %mul3A_2 = arith.muli %add3A, %mul3A_1 : i32
    %add3A_3 = arith.constant 0 : i32
    %add3A_4 = arith.addi %mul3A_2, %add3A_3 : i32
    "tpu.region"() ({
      %run_scoped3A = tpu.sem_alloc : memref<!tpu.dma_semaphore, #tpu.memory_space<semaphore_mem>>
      %dma_start3A = arith.constant 0 : i32
      %dma_start3A_56 = tpu.memref_slice %arg4[%add3A_4, %dma_start3A] : memref<64x100000xf32, #tpu.memory_space<hbm>> -> memref<1x100000xf32, #tpu.memory_space<hbm>>
      %dma_start3A_57 = tpu.memref_squeeze %dma_start3A_56 : memref<1x100000xf32, #tpu.memory_space<hbm>> -> memref<100000xf32, #tpu.memory_space<hbm>>
      %dma_start3A_58 = arith.constant 0 : i32
      %dma_start3A_59 = tpu.memref_slice %arg4[%add3A_4, %dma_start3A_58] : memref<64x100000xf32, #tpu.memory_space<hbm>> -> memref<1x100000xf32, #tpu.memory_space<hbm>>
      %dma_start3A_60 = tpu.memref_squeeze %dma_start3A_59 : memref<1x100000xf32, #tpu.memory_space<hbm>> -> memref<100000xf32, #tpu.memory_space<hbm>>
      tpu.enqueue_dma source(%dma_start3A_60 : memref<100000xf32, #tpu.memory_space<hbm>>) target(%arg7 : memref<100000xf32, #tpu.memory_space<vmem>>) target_semaphore(%run_scoped3A : memref<!tpu.dma_semaphore, #tpu.memory_space<semaphore_mem>>)
      %dma_wait3A = arith.constant 0 : i32
      %dma_wait3A_61 = tpu.memref_slice %arg4[%add3A_4, %dma_wait3A] : memref<64x100000xf32, #tpu.memory_space<hbm>> -> memref<1x100000xf32, #tpu.memory_space<hbm>>
      %dma_wait3A_62 = tpu.memref_squeeze %dma_wait3A_61 : memref<1x100000xf32, #tpu.memory_space<hbm>> -> memref<100000xf32, #tpu.memory_space<hbm>>
      %dma_wait3A_63 = arith.constant 0 : i32
      %dma_wait3A_64 = tpu.memref_slice %arg4[%add3A_4, %dma_wait3A_63] : memref<64x100000xf32, #tpu.memory_space<hbm>> -> memref<1x100000xf32, #tpu.memory_space<hbm>>
      %dma_wait3A_65 = tpu.memref_squeeze %dma_wait3A_64 : memref<1x100000xf32, #tpu.memory_space<hbm>> -> memref<100000xf32, #tpu.memory_space<hbm>>
      tpu.wait_dma2 semaphore(%run_scoped3A : memref<!tpu.dma_semaphore, #tpu.memory_space<semaphore_mem>>) src(%dma_wait3A_65 : memref<100000xf32, #tpu.memory_space<hbm>>) dst(%arg7 : memref<100000xf32, #tpu.memory_space<vmem>>)
      tpu.yield
    }) : () -> ()
    "tpu.region"() ({
      %run_scoped3A = tpu.sem_alloc : memref<!tpu.dma_semaphore, #tpu.memory_space<semaphore_mem>>
      %dma_start3A = arith.constant 0 : i32
      %dma_start3A_56 = tpu.memref_slice %arg2[%dma_start3A] : memref<16384xi32, #tpu.memory_space<hbm>> -> memref<8192xi32, #tpu.memory_space<hbm>>
      %dma_start3A_57 = arith.constant 0 : i32
      %dma_start3A_58 = tpu.memref_slice %arg2[%dma_start3A_57] : memref<16384xi32, #tpu.memory_space<hbm>> -> memref<8192xi32, #tpu.memory_space<hbm>>
      tpu.enqueue_dma source(%dma_start3A_58 : memref<8192xi32, #tpu.memory_space<hbm>>) target(%arg9 : memref<8192xi32, #tpu.memory_space<vmem>>) target_semaphore(%run_scoped3A : memref<!tpu.dma_semaphore, #tpu.memory_space<semaphore_mem>>)
      %dma_wait3A = arith.constant 0 : i32
      %dma_wait3A_59 = tpu.memref_slice %arg2[%dma_wait3A] : memref<16384xi32, #tpu.memory_space<hbm>> -> memref<8192xi32, #tpu.memory_space<hbm>>
      %dma_wait3A_60 = arith.constant 0 : i32
      %dma_wait3A_61 = tpu.memref_slice %arg2[%dma_wait3A_60] : memref<16384xi32, #tpu.memory_space<hbm>> -> memref<8192xi32, #tpu.memory_space<hbm>>
      tpu.wait_dma2 semaphore(%run_scoped3A : memref<!tpu.dma_semaphore, #tpu.memory_space<semaphore_mem>>) src(%dma_wait3A_61 : memref<8192xi32, #tpu.memory_space<hbm>>) dst(%arg9 : memref<8192xi32, #tpu.memory_space<vmem>>)
      tpu.yield
    }) : () -> ()
    %scan3A = arith.constant 0 : i32
    %scan3A_5 = arith.constant 0 : i32
    %scan3A_6 = arith.constant 512 : i32
    %scan3A_7 = arith.addi %scan3A_5, %scan3A_6 : i32
    %scan3A_8 = arith.constant 4 : i32
    scf.for %scan3A_56 = %scan3A_5 to %scan3A_7 step %scan3A_8  : i32 {
      %mul3A_57 = arith.constant 16 : i32
      %mul3A_58 = arith.muli %scan3A_56, %mul3A_57 : i32
      %get3A = arith.index_cast %mul3A_58 : i32 to index
      %get3A_59 = tpu.vector_load %arg9[%get3A] {strides = array<i32>} : memref<8192xi32, #tpu.memory_space<vmem>>, vector<16xi32>,
      %gather3A = tpu.vector_load_idx %arg7[%get3A_59] : memref<100000xf32, #tpu.memory_space<vmem>>[vector<16xi32>], vector<16xf32>,
      %mul3A_60 = arith.constant 16 : i32
      %mul3A_61 = arith.muli %scan3A_56, %mul3A_60 : i32
      %add3A_62 = arith.constant 0 : i32
      %add3A_63 = arith.addi %add3A_62, %mul3A_61 : i32
      %swap3A = arith.constant 0 : i32
      %swap3A_64 = arith.index_cast %swap3A : i32 to index
      %swap3A_65 = arith.index_cast %add3A_63 : i32 to index
      %swap3A_66 = tpu.vector_load %arg8[%swap3A_64, %swap3A_65] {strides = array<i32>} : memref<1x16384xf32, #tpu.memory_space<vmem>>, vector<16xf32>,
      tpu.vector_store %arg8[%swap3A_64, %swap3A_65], %gather3A {strides = array<i32>} : memref<1x16384xf32, #tpu.memory_space<vmem>>, vector<16xf32>,
      %scan3A_67 = arith.constant 1 : i32
      %scan3A_68 = arith.addi %scan3A_56, %scan3A_67 : i32
      %mul3A_69 = arith.constant 16 : i32
      %mul3A_70 = arith.muli %scan3A_68, %mul3A_69 : i32
      %get3A_71 = arith.index_cast %mul3A_70 : i32 to index
      %get3A_72 = tpu.vector_load %arg9[%get3A_71] {strides = array<i32>} : memref<8192xi32, #tpu.memory_space<vmem>>, vector<16xi32>,
      %gather3A_73 = tpu.vector_load_idx %arg7[%get3A_72] : memref<100000xf32, #tpu.memory_space<vmem>>[vector<16xi32>], vector<16xf32>,
      %mul3A_74 = arith.constant 16 : i32
      %mul3A_75 = arith.muli %scan3A_68, %mul3A_74 : i32
      %add3A_76 = arith.constant 0 : i32
      %add3A_77 = arith.addi %add3A_76, %mul3A_75 : i32
      %swap3A_78 = arith.constant 0 : i32
      %swap3A_79 = arith.index_cast %swap3A_78 : i32 to index
      %swap3A_80 = arith.index_cast %add3A_77 : i32 to index
      %swap3A_81 = tpu.vector_load %arg8[%swap3A_79, %swap3A_80] {strides = array<i32>} : memref<1x16384xf32, #tpu.memory_space<vmem>>, vector<16xf32>,
      tpu.vector_store %arg8[%swap3A_79, %swap3A_80], %gather3A_73 {strides = array<i32>} : memref<1x16384xf32, #tpu.memory_space<vmem>>, vector<16xf32>,
      %scan3A_82 = arith.constant 2 : i32
      %scan3A_83 = arith.addi %scan3A_56, %scan3A_82 : i32
      %mul3A_84 = arith.constant 16 : i32
      %mul3A_85 = arith.muli %scan3A_83, %mul3A_84 : i32
      %get3A_86 = arith.index_cast %mul3A_85 : i32 to index
      %get3A_87 = tpu.vector_load %arg9[%get3A_86] {strides = array<i32>} : memref<8192xi32, #tpu.memory_space<vmem>>, vector<16xi32>,
      %gather3A_88 = tpu.vector_load_idx %arg7[%get3A_87] : memref<100000xf32, #tpu.memory_space<vmem>>[vector<16xi32>], vector<16xf32>,
      %mul3A_89 = arith.constant 16 : i32
      %mul3A_90 = arith.muli %scan3A_83, %mul3A_89 : i32
      %add3A_91 = arith.constant 0 : i32
      %add3A_92 = arith.addi %add3A_91, %mul3A_90 : i32
      %swap3A_93 = arith.constant 0 : i32
      %swap3A_94 = arith.index_cast %swap3A_93 : i32 to index
      %swap3A_95 = arith.index_cast %add3A_92 : i32 to index
      %swap3A_96 = tpu.vector_load %arg8[%swap3A_94, %swap3A_95] {strides = array<i32>} : memref<1x16384xf32, #tpu.memory_space<vmem>>, vector<16xf32>,
      tpu.vector_store %arg8[%swap3A_94, %swap3A_95], %gather3A_88 {strides = array<i32>} : memref<1x16384xf32, #tpu.memory_space<vmem>>, vector<16xf32>,
      %scan3A_97 = arith.constant 3 : i32
      %scan3A_98 = arith.addi %scan3A_56, %scan3A_97 : i32
      %mul3A_99 = arith.constant 16 : i32
      %mul3A_100 = arith.muli %scan3A_98, %mul3A_99 : i32
      %get3A_101 = arith.index_cast %mul3A_100 : i32 to index
      %get3A_102 = tpu.vector_load %arg9[%get3A_101] {strides = array<i32>} : memref<8192xi32, #tpu.memory_space<vmem>>, vector<16xi32>,
      %gather3A_103 = tpu.vector_load_idx %arg7[%get3A_102] : memref<100000xf32, #tpu.memory_space<vmem>>[vector<16xi32>], vector<16xf32>,
      %mul3A_104 = arith.constant 16 : i32
      %mul3A_105 = arith.muli %scan3A_98, %mul3A_104 : i32
      %add3A_106 = arith.constant 0 : i32
      %add3A_107 = arith.addi %add3A_106, %mul3A_105 : i32
      %swap3A_108 = arith.constant 0 : i32
      %swap3A_109 = arith.index_cast %swap3A_108 : i32 to index
      %swap3A_110 = arith.index_cast %add3A_107 : i32 to index
      %swap3A_111 = tpu.vector_load %arg8[%swap3A_109, %swap3A_110] {strides = array<i32>} : memref<1x16384xf32, #tpu.memory_space<vmem>>, vector<16xf32>,
      tpu.vector_store %arg8[%swap3A_109, %swap3A_110], %gather3A_103 {strides = array<i32>} : memref<1x16384xf32, #tpu.memory_space<vmem>>, vector<16xf32>,
    }
    %scan3A_9 = arith.constant 512 : i32
    "tpu.region"() ({
      %run_scoped3A = tpu.sem_alloc : memref<!tpu.dma_semaphore, #tpu.memory_space<semaphore_mem>>
      %dma_start3A = arith.constant 8192 : i32
      %dma_start3A_56 = tpu.memref_slice %arg2[%dma_start3A] : memref<16384xi32, #tpu.memory_space<hbm>> -> memref<8192xi32, #tpu.memory_space<hbm>>
      %dma_start3A_57 = arith.constant 8192 : i32
      %dma_start3A_58 = tpu.memref_slice %arg2[%dma_start3A_57] : memref<16384xi32, #tpu.memory_space<hbm>> -> memref<8192xi32, #tpu.memory_space<hbm>>
      tpu.enqueue_dma source(%dma_start3A_58 : memref<8192xi32, #tpu.memory_space<hbm>>) target(%arg9 : memref<8192xi32, #tpu.memory_space<vmem>>) target_semaphore(%run_scoped3A : memref<!tpu.dma_semaphore, #tpu.memory_space<semaphore_mem>>)
      %dma_wait3A = arith.constant 8192 : i32
      %dma_wait3A_59 = tpu.memref_slice %arg2[%dma_wait3A] : memref<16384xi32, #tpu.memory_space<hbm>> -> memref<8192xi32, #tpu.memory_space<hbm>>
      %dma_wait3A_60 = arith.constant 8192 : i32
      %dma_wait3A_61 = tpu.memref_slice %arg2[%dma_wait3A_60] : memref<16384xi32, #tpu.memory_space<hbm>> -> memref<8192xi32, #tpu.memory_space<hbm>>
      tpu.wait_dma2 semaphore(%run_scoped3A : memref<!tpu.dma_semaphore, #tpu.memory_space<semaphore_mem>>) src(%dma_wait3A_61 : memref<8192xi32, #tpu.memory_space<hbm>>) dst(%arg9 : memref<8192xi32, #tpu.memory_space<vmem>>)
      tpu.yield
    }) : () -> ()
    %scan3A_10 = arith.constant 0 : i32
    %scan3A_11 = arith.constant 0 : i32
    %scan3A_12 = arith.constant 512 : i32
    %scan3A_13 = arith.addi %scan3A_11, %scan3A_12 : i32
    %scan3A_14 = arith.constant 4 : i32
    scf.for %scan3A_56 = %scan3A_11 to %scan3A_13 step %scan3A_14  : i32 {
      %mul3A_57 = arith.constant 16 : i32
      %mul3A_58 = arith.muli %scan3A_56, %mul3A_57 : i32
      %get3A = arith.index_cast %mul3A_58 : i32 to index
      %get3A_59 = tpu.vector_load %arg9[%get3A] {strides = array<i32>} : memref<8192xi32, #tpu.memory_space<vmem>>, vector<16xi32>,
      %gather3A = tpu.vector_load_idx %arg7[%get3A_59] : memref<100000xf32, #tpu.memory_space<vmem>>[vector<16xi32>], vector<16xf32>,
      %mul3A_60 = arith.constant 16 : i32
      %mul3A_61 = arith.muli %scan3A_56, %mul3A_60 : i32
      %add3A_62 = arith.constant 8192 : i32
      %add3A_63 = arith.addi %add3A_62, %mul3A_61 : i32
      %swap3A = arith.constant 0 : i32
      %swap3A_64 = arith.index_cast %swap3A : i32 to index
      %swap3A_65 = arith.index_cast %add3A_63 : i32 to index
      %swap3A_66 = tpu.vector_load %arg8[%swap3A_64, %swap3A_65] {strides = array<i32>} : memref<1x16384xf32, #tpu.memory_space<vmem>>, vector<16xf32>,
      tpu.vector_store %arg8[%swap3A_64, %swap3A_65], %gather3A {strides = array<i32>} : memref<1x16384xf32, #tpu.memory_space<vmem>>, vector<16xf32>,
      %scan3A_67 = arith.constant 1 : i32
      %scan3A_68 = arith.addi %scan3A_56, %scan3A_67 : i32
      %mul3A_69 = arith.constant 16 : i32
      %mul3A_70 = arith.muli %scan3A_68, %mul3A_69 : i32
      %get3A_71 = arith.index_cast %mul3A_70 : i32 to index
      %get3A_72 = tpu.vector_load %arg9[%get3A_71] {strides = array<i32>} : memref<8192xi32, #tpu.memory_space<vmem>>, vector<16xi32>,
      %gather3A_73 = tpu.vector_load_idx %arg7[%get3A_72] : memref<100000xf32, #tpu.memory_space<vmem>>[vector<16xi32>], vector<16xf32>,
      %mul3A_74 = arith.constant 16 : i32
      %mul3A_75 = arith.muli %scan3A_68, %mul3A_74 : i32
      %add3A_76 = arith.constant 8192 : i32
      %add3A_77 = arith.addi %add3A_76, %mul3A_75 : i32
      %swap3A_78 = arith.constant 0 : i32
      %swap3A_79 = arith.index_cast %swap3A_78 : i32 to index
      %swap3A_80 = arith.index_cast %add3A_77 : i32 to index
      %swap3A_81 = tpu.vector_load %arg8[%swap3A_79, %swap3A_80] {strides = array<i32>} : memref<1x16384xf32, #tpu.memory_space<vmem>>, vector<16xf32>,
      tpu.vector_store %arg8[%swap3A_79, %swap3A_80], %gather3A_73 {strides = array<i32>} : memref<1x16384xf32, #tpu.memory_space<vmem>>, vector<16xf32>,
      %scan3A_82 = arith.constant 2 : i32
      %scan3A_83 = arith.addi %scan3A_56, %scan3A_82 : i32
      %mul3A_84 = arith.constant 16 : i32
      %mul3A_85 = arith.muli %scan3A_83, %mul3A_84 : i32
      %get3A_86 = arith.index_cast %mul3A_85 : i32 to index
      %get3A_87 = tpu.vector_load %arg9[%get3A_86] {strides = array<i32>} : memref<8192xi32, #tpu.memory_space<vmem>>, vector<16xi32>,
      %gather3A_88 = tpu.vector_load_idx %arg7[%get3A_87] : memref<100000xf32, #tpu.memory_space<vmem>>[vector<16xi32>], vector<16xf32>,
      %mul3A_89 = arith.constant 16 : i32
      %mul3A_90 = arith.muli %scan3A_83, %mul3A_89 : i32
      %add3A_91 = arith.constant 8192 : i32
      %add3A_92 = arith.addi %add3A_91, %mul3A_90 : i32
      %swap3A_93 = arith.constant 0 : i32
      %swap3A_94 = arith.index_cast %swap3A_93 : i32 to index
      %swap3A_95 = arith.index_cast %add3A_92 : i32 to index
      %swap3A_96 = tpu.vector_load %arg8[%swap3A_94, %swap3A_95] {strides = array<i32>} : memref<1x16384xf32, #tpu.memory_space<vmem>>, vector<16xf32>,
      tpu.vector_store %arg8[%swap3A_94, %swap3A_95], %gather3A_88 {strides = array<i32>} : memref<1x16384xf32, #tpu.memory_space<vmem>>, vector<16xf32>,
      %scan3A_97 = arith.constant 3 : i32
      %scan3A_98 = arith.addi %scan3A_56, %scan3A_97 : i32
      %mul3A_99 = arith.constant 16 : i32
      %mul3A_100 = arith.muli %scan3A_98, %mul3A_99 : i32
      %get3A_101 = arith.index_cast %mul3A_100 : i32 to index
      %get3A_102 = tpu.vector_load %arg9[%get3A_101] {strides = array<i32>} : memref<8192xi32, #tpu.memory_space<vmem>>, vector<16xi32>,
      %gather3A_103 = tpu.vector_load_idx %arg7[%get3A_102] : memref<100000xf32, #tpu.memory_space<vmem>>[vector<16xi32>], vector<16xf32>,
      %mul3A_104 = arith.constant 16 : i32
      %mul3A_105 = arith.muli %scan3A_98, %mul3A_104 : i32
      %add3A_106 = arith.constant 8192 : i32
      %add3A_107 = arith.addi %add3A_106, %mul3A_105 : i32
      %swap3A_108 = arith.constant 0 : i32
      %swap3A_109 = arith.index_cast %swap3A_108 : i32 to index
      %swap3A_110 = arith.index_cast %add3A_107 : i32 to index
      %swap3A_111 = tpu.vector_load %arg8[%swap3A_109, %swap3A_110] {strides = array<i32>} : memref<1x16384xf32, #tpu.memory_space<vmem>>, vector<16xf32>,
      tpu.vector_store %arg8[%swap3A_109, %swap3A_110], %gather3A_103 {strides = array<i32>} : memref<1x16384xf32, #tpu.memory_space<vmem>>, vector<16xf32>,
    }
    %scan3A_15 = arith.constant 512 : i32
    "tpu.region"() ({
      %run_scoped3A = tpu.sem_alloc : memref<!tpu.dma_semaphore, #tpu.memory_space<semaphore_mem>>
      %dma_start3A = arith.constant 0 : i32
      %dma_start3A_56 = tpu.memref_slice %arg5[%add3A_4, %dma_start3A] : memref<64x100000xf32, #tpu.memory_space<hbm>> -> memref<1x100000xf32, #tpu.memory_space<hbm>>
      %dma_start3A_57 = tpu.memref_squeeze %dma_start3A_56 : memref<1x100000xf32, #tpu.memory_space<hbm>> -> memref<100000xf32, #tpu.memory_space<hbm>>
      %dma_start3A_58 = arith.constant 0 : i32
      %dma_start3A_59 = tpu.memref_slice %arg5[%add3A_4, %dma_start3A_58] : memref<64x100000xf32, #tpu.memory_space<hbm>> -> memref<1x100000xf32, #tpu.memory_space<hbm>>
      %dma_start3A_60 = tpu.memref_squeeze %dma_start3A_59 : memref<1x100000xf32, #tpu.memory_space<hbm>> -> memref<100000xf32, #tpu.memory_space<hbm>>
      tpu.enqueue_dma source(%dma_start3A_60 : memref<100000xf32, #tpu.memory_space<hbm>>) target(%arg7 : memref<100000xf32, #tpu.memory_space<vmem>>) target_semaphore(%run_scoped3A : memref<!tpu.dma_semaphore, #tpu.memory_space<semaphore_mem>>)
      %dma_wait3A = arith.constant 0 : i32
      %dma_wait3A_61 = tpu.memref_slice %arg5[%add3A_4, %dma_wait3A] : memref<64x100000xf32, #tpu.memory_space<hbm>> -> memref<1x100000xf32, #tpu.memory_space<hbm>>
      %dma_wait3A_62 = tpu.memref_squeeze %dma_wait3A_61 : memref<1x100000xf32, #tpu.memory_space<hbm>> -> memref<100000xf32, #tpu.memory_space<hbm>>
      %dma_wait3A_63 = arith.constant 0 : i32
      %dma_wait3A_64 = tpu.memref_slice %arg5[%add3A_4, %dma_wait3A_63] : memref<64x100000xf32, #tpu.memory_space<hbm>> -> memref<1x100000xf32, #tpu.memory_space<hbm>>
      %dma_wait3A_65 = tpu.memref_squeeze %dma_wait3A_64 : memref<1x100000xf32, #tpu.memory_space<hbm>> -> memref<100000xf32, #tpu.memory_space<hbm>>
      tpu.wait_dma2 semaphore(%run_scoped3A : memref<!tpu.dma_semaphore, #tpu.memory_space<semaphore_mem>>) src(%dma_wait3A_65 : memref<100000xf32, #tpu.memory_space<hbm>>) dst(%arg7 : memref<100000xf32, #tpu.memory_space<vmem>>)
      tpu.yield
    }) : () -> ()
    "tpu.region"() ({
      %run_scoped3A = tpu.sem_alloc : memref<!tpu.dma_semaphore, #tpu.memory_space<semaphore_mem>>
      %dma_start3A = arith.constant 0 : i32
      %dma_start3A_56 = tpu.memref_slice %arg3[%dma_start3A] : memref<16384xi32, #tpu.memory_space<hbm>> -> memref<8192xi32, #tpu.memory_space<hbm>>
      %dma_start3A_57 = arith.constant 0 : i32
      %dma_start3A_58 = tpu.memref_slice %arg3[%dma_start3A_57] : memref<16384xi32, #tpu.memory_space<hbm>> -> memref<8192xi32, #tpu.memory_space<hbm>>
      tpu.enqueue_dma source(%dma_start3A_58 : memref<8192xi32, #tpu.memory_space<hbm>>) target(%arg9 : memref<8192xi32, #tpu.memory_space<vmem>>) target_semaphore(%run_scoped3A : memref<!tpu.dma_semaphore, #tpu.memory_space<semaphore_mem>>)
      %dma_wait3A = arith.constant 0 : i32
      %dma_wait3A_59 = tpu.memref_slice %arg3[%dma_wait3A] : memref<16384xi32, #tpu.memory_space<hbm>> -> memref<8192xi32, #tpu.memory_space<hbm>>
      %dma_wait3A_60 = arith.constant 0 : i32
      %dma_wait3A_61 = tpu.memref_slice %arg3[%dma_wait3A_60] : memref<16384xi32, #tpu.memory_space<hbm>> -> memref<8192xi32, #tpu.memory_space<hbm>>
      tpu.wait_dma2 semaphore(%run_scoped3A : memref<!tpu.dma_semaphore, #tpu.memory_space<semaphore_mem>>) src(%dma_wait3A_61 : memref<8192xi32, #tpu.memory_space<hbm>>) dst(%arg9 : memref<8192xi32, #tpu.memory_space<vmem>>)
      tpu.yield
    }) : () -> ()
    %scan3A_16 = arith.constant 0 : i32
    %scan3A_17 = arith.constant 0 : i32
    %scan3A_18 = arith.constant 512 : i32
    %scan3A_19 = arith.addi %scan3A_17, %scan3A_18 : i32
    %scan3A_20 = arith.constant 4 : i32
    scf.for %scan3A_56 = %scan3A_17 to %scan3A_19 step %scan3A_20  : i32 {
      %mul3A_57 = arith.constant 16 : i32
      %mul3A_58 = arith.muli %scan3A_56, %mul3A_57 : i32
      %get3A = arith.index_cast %mul3A_58 : i32 to index
      %get3A_59 = tpu.vector_load %arg9[%get3A] {strides = array<i32>} : memref<8192xi32, #tpu.memory_space<vmem>>, vector<16xi32>,
      %gather3A = tpu.vector_load_idx %arg7[%get3A_59] : memref<100000xf32, #tpu.memory_space<vmem>>[vector<16xi32>], vector<16xf32>,
      %mul3A_60 = arith.constant 16 : i32
      %mul3A_61 = arith.muli %scan3A_56, %mul3A_60 : i32
      %add3A_62 = arith.constant 0 : i32
      %add3A_63 = arith.addi %add3A_62, %mul3A_61 : i32
      %get3A_64 = arith.constant 0 : i32
      %get3A_65 = arith.index_cast %get3A_64 : i32 to index
      %get3A_66 = arith.index_cast %add3A_63 : i32 to index
      %get3A_67 = tpu.vector_load %arg8[%get3A_65, %get3A_66] {strides = array<i32>} : memref<1x16384xf32, #tpu.memory_space<vmem>>, vector<16xf32>,
      %mul3A_68 = arith.mulf %gather3A, %get3A_67 : vector<16xf32>
      %swap3A = arith.constant 0 : i32
      %swap3A_69 = arith.index_cast %swap3A : i32 to index
      %swap3A_70 = arith.index_cast %add3A_63 : i32 to index
      %swap3A_71 = tpu.vector_load %arg8[%swap3A_69, %swap3A_70] {strides = array<i32>} : memref<1x16384xf32, #tpu.memory_space<vmem>>, vector<16xf32>,
      tpu.vector_store %arg8[%swap3A_69, %swap3A_70], %mul3A_68 {strides = array<i32>} : memref<1x16384xf32, #tpu.memory_space<vmem>>, vector<16xf32>,
      %scan3A_72 = arith.constant 1 : i32
      %scan3A_73 = arith.addi %scan3A_56, %scan3A_72 : i32
      %mul3A_74 = arith.constant 16 : i32
      %mul3A_75 = arith.muli %scan3A_73, %mul3A_74 : i32
      %get3A_76 = arith.index_cast %mul3A_75 : i32 to index
      %get3A_77 = tpu.vector_load %arg9[%get3A_76] {strides = array<i32>} : memref<8192xi32, #tpu.memory_space<vmem>>, vector<16xi32>,
      %gather3A_78 = tpu.vector_load_idx %arg7[%get3A_77] : memref<100000xf32, #tpu.memory_space<vmem>>[vector<16xi32>], vector<16xf32>,
      %mul3A_79 = arith.constant 16 : i32
      %mul3A_80 = arith.muli %scan3A_73, %mul3A_79 : i32
      %add3A_81 = arith.constant 0 : i32
      %add3A_82 = arith.addi %add3A_81, %mul3A_80 : i32
      %get3A_83 = arith.constant 0 : i32
      %get3A_84 = arith.index_cast %get3A_83 : i32 to index
      %get3A_85 = arith.index_cast %add3A_82 : i32 to index
      %get3A_86 = tpu.vector_load %arg8[%get3A_84, %get3A_85] {strides = array<i32>} : memref<1x16384xf32, #tpu.memory_space<vmem>>, vector<16xf32>,
      %mul3A_87 = arith.mulf %gather3A_78, %get3A_86 : vector<16xf32>
      %swap3A_88 = arith.constant 0 : i32
      %swap3A_89 = arith.index_cast %swap3A_88 : i32 to index
      %swap3A_90 = arith.index_cast %add3A_82 : i32 to index
      %swap3A_91 = tpu.vector_load %arg8[%swap3A_89, %swap3A_90] {strides = array<i32>} : memref<1x16384xf32, #tpu.memory_space<vmem>>, vector<16xf32>,
      tpu.vector_store %arg8[%swap3A_89, %swap3A_90], %mul3A_87 {strides = array<i32>} : memref<1x16384xf32, #tpu.memory_space<vmem>>, vector<16xf32>,
      %scan3A_92 = arith.constant 2 : i32
      %scan3A_93 = arith.addi %scan3A_56, %scan3A_92 : i32
      %mul3A_94 = arith.constant 16 : i32
      %mul3A_95 = arith.muli %scan3A_93, %mul3A_94 : i32
      %get3A_96 = arith.index_cast %mul3A_95 : i32 to index
      %get3A_97 = tpu.vector_load %arg9[%get3A_96] {strides = array<i32>} : memref<8192xi32, #tpu.memory_space<vmem>>, vector<16xi32>,
      %gather3A_98 = tpu.vector_load_idx %arg7[%get3A_97] : memref<100000xf32, #tpu.memory_space<vmem>>[vector<16xi32>], vector<16xf32>,
      %mul3A_99 = arith.constant 16 : i32
      %mul3A_100 = arith.muli %scan3A_93, %mul3A_99 : i32
      %add3A_101 = arith.constant 0 : i32
      %add3A_102 = arith.addi %add3A_101, %mul3A_100 : i32
      %get3A_103 = arith.constant 0 : i32
      %get3A_104 = arith.index_cast %get3A_103 : i32 to index
      %get3A_105 = arith.index_cast %add3A_102 : i32 to index
      %get3A_106 = tpu.vector_load %arg8[%get3A_104, %get3A_105] {strides = array<i32>} : memref<1x16384xf32, #tpu.memory_space<vmem>>, vector<16xf32>,
      %mul3A_107 = arith.mulf %gather3A_98, %get3A_106 : vector<16xf32>
      %swap3A_108 = arith.constant 0 : i32
      %swap3A_109 = arith.index_cast %swap3A_108 : i32 to index
      %swap3A_110 = arith.index_cast %add3A_102 : i32 to index
      %swap3A_111 = tpu.vector_load %arg8[%swap3A_109, %swap3A_110] {strides = array<i32>} : memref<1x16384xf32, #tpu.memory_space<vmem>>, vector<16xf32>,
      tpu.vector_store %arg8[%swap3A_109, %swap3A_110], %mul3A_107 {strides = array<i32>} : memref<1x16384xf32, #tpu.memory_space<vmem>>, vector<16xf32>,
      %scan3A_112 = arith.constant 3 : i32
      %scan3A_113 = arith.addi %scan3A_56, %scan3A_112 : i32
      %mul3A_114 = arith.constant 16 : i32
      %mul3A_115 = arith.muli %scan3A_113, %mul3A_114 : i32
      %get3A_116 = arith.index_cast %mul3A_115 : i32 to index
      %get3A_117 = tpu.vector_load %arg9[%get3A_116] {strides = array<i32>} : memref<8192xi32, #tpu.memory_space<vmem>>, vector<16xi32>,
      %gather3A_118 = tpu.vector_load_idx %arg7[%get3A_117] : memref<100000xf32, #tpu.memory_space<vmem>>[vector<16xi32>], vector<16xf32>,
      %mul3A_119 = arith.constant 16 : i32
      %mul3A_120 = arith.muli %scan3A_113, %mul3A_119 : i32
      %add3A_121 = arith.constant 0 : i32
      %add3A_122 = arith.addi %add3A_121, %mul3A_120 : i32
      %get3A_123 = arith.constant 0 : i32
      %get3A_124 = arith.index_cast %get3A_123 : i32 to index
      %get3A_125 = arith.index_cast %add3A_122 : i32 to index
      %get3A_126 = tpu.vector_load %arg8[%get3A_124, %get3A_125] {strides = array<i32>} : memref<1x16384xf32, #tpu.memory_space<vmem>>, vector<16xf32>,
      %mul3A_127 = arith.mulf %gather3A_118, %get3A_126 : vector<16xf32>
      %swap3A_128 = arith.constant 0 : i32
      %swap3A_129 = arith.index_cast %swap3A_128 : i32 to index
      %swap3A_130 = arith.index_cast %add3A_122 : i32 to index
      %swap3A_131 = tpu.vector_load %arg8[%swap3A_129, %swap3A_130] {strides = array<i32>} : memref<1x16384xf32, #tpu.memory_space<vmem>>, vector<16xf32>,
      tpu.vector_store %arg8[%swap3A_129, %swap3A_130], %mul3A_127 {strides = array<i32>} : memref<1x16384xf32, #tpu.memory_space<vmem>>, vector<16xf32>,
    }
    %scan3A_21 = arith.constant 512 : i32
    "tpu.region"() ({
      %run_scoped3A = tpu.sem_alloc : memref<!tpu.dma_semaphore, #tpu.memory_space<semaphore_mem>>
      %dma_start3A = arith.constant 0 : i32
      %dma_start3A_56 = arith.constant 0 : i32
      %dma_start3A_57 = tpu.memref_slice %arg8[%dma_start3A, %dma_start3A_56] : memref<1x16384xf32, #tpu.memory_space<vmem>> -> memref<1x8192xf32, #tpu.memory_space<vmem>>
      %dma_start3A_58 = arith.constant 0 : i32
      %dma_start3A_59 = tpu.memref_slice %arg6[%add3A_4, %dma_start3A_58] : memref<64x16384xf32, #tpu.memory_space<hbm>> -> memref<1x8192xf32, #tpu.memory_space<hbm>>
      %dma_start3A_60 = arith.constant 0 : i32
      %dma_start3A_61 = tpu.memref_slice %arg6[%add3A_4, %dma_start3A_60] : memref<64x16384xf32, #tpu.memory_space<hbm>> -> memref<1x8192xf32, #tpu.memory_space<hbm>>
      %dma_start3A_62 = arith.constant 0 : i32
      %dma_start3A_63 = arith.constant 0 : i32
      %dma_start3A_64 = tpu.memref_slice %arg8[%dma_start3A_62, %dma_start3A_63] : memref<1x16384xf32, #tpu.memory_space<vmem>> -> memref<1x8192xf32, #tpu.memory_space<vmem>>
      tpu.enqueue_dma source(%dma_start3A_64 : memref<1x8192xf32, #tpu.memory_space<vmem>>) target(%dma_start3A_61 : memref<1x8192xf32, #tpu.memory_space<hbm>>) target_semaphore(%run_scoped3A : memref<!tpu.dma_semaphore, #tpu.memory_space<semaphore_mem>>)
      %dma_wait3A = arith.constant 0 : i32
      %dma_wait3A_65 = arith.constant 0 : i32
      %dma_wait3A_66 = tpu.memref_slice %arg8[%dma_wait3A, %dma_wait3A_65] : memref<1x16384xf32, #tpu.memory_space<vmem>> -> memref<1x8192xf32, #tpu.memory_space<vmem>>
      %dma_wait3A_67 = arith.constant 0 : i32
      %dma_wait3A_68 = tpu.memref_slice %arg6[%add3A_4, %dma_wait3A_67] : memref<64x16384xf32, #tpu.memory_space<hbm>> -> memref<1x8192xf32, #tpu.memory_space<hbm>>
      %dma_wait3A_69 = arith.constant 0 : i32
      %dma_wait3A_70 = tpu.memref_slice %arg6[%add3A_4, %dma_wait3A_69] : memref<64x16384xf32, #tpu.memory_space<hbm>> -> memref<1x8192xf32, #tpu.memory_space<hbm>>
      %dma_wait3A_71 = arith.constant 0 : i32
      %dma_wait3A_72 = arith.constant 0 : i32
      %dma_wait3A_73 = tpu.memref_slice %arg8[%dma_wait3A_71, %dma_wait3A_72] : memref<1x16384xf32, #tpu.memory_space<vmem>> -> memref<1x8192xf32, #tpu.memory_space<vmem>>
      tpu.wait_dma2 semaphore(%run_scoped3A : memref<!tpu.dma_semaphore, #tpu.memory_space<semaphore_mem>>) src(%dma_wait3A_73 : memref<1x8192xf32, #tpu.memory_space<vmem>>) dst(%dma_wait3A_70 : memref<1x8192xf32, #tpu.memory_space<hbm>>)
      tpu.yield
    }) : () -> ()
    "tpu.region"() ({
      %run_scoped3A = tpu.sem_alloc : memref<!tpu.dma_semaphore, #tpu.memory_space<semaphore_mem>>
      %dma_start3A = arith.constant 8192 : i32
      %dma_start3A_56 = tpu.memref_slice %arg3[%dma_start3A] : memref<16384xi32, #tpu.memory_space<hbm>> -> memref<8192xi32, #tpu.memory_space<hbm>>
      %dma_start3A_57 = arith.constant 8192 : i32
      %dma_start3A_58 = tpu.memref_slice %arg3[%dma_start3A_57] : memref<16384xi32, #tpu.memory_space<hbm>> -> memref<8192xi32, #tpu.memory_space<hbm>>
      tpu.enqueue_dma source(%dma_start3A_58 : memref<8192xi32, #tpu.memory_space<hbm>>) target(%arg9 : memref<8192xi32, #tpu.memory_space<vmem>>) target_semaphore(%run_scoped3A : memref<!tpu.dma_semaphore, #tpu.memory_space<semaphore_mem>>)
      %dma_wait3A = arith.constant 8192 : i32
      %dma_wait3A_59 = tpu.memref_slice %arg3[%dma_wait3A] : memref<16384xi32, #tpu.memory_space<hbm>> -> memref<8192xi32, #tpu.memory_space<hbm>>
      %dma_wait3A_60 = arith.constant 8192 : i32
      %dma_wait3A_61 = tpu.memref_slice %arg3[%dma_wait3A_60] : memref<16384xi32, #tpu.memory_space<hbm>> -> memref<8192xi32, #tpu.memory_space<hbm>>
      tpu.wait_dma2 semaphore(%run_scoped3A : memref<!tpu.dma_semaphore, #tpu.memory_space<semaphore_mem>>) src(%dma_wait3A_61 : memref<8192xi32, #tpu.memory_space<hbm>>) dst(%arg9 : memref<8192xi32, #tpu.memory_space<vmem>>)
      tpu.yield
    }) : () -> ()
    %scan3A_22 = arith.constant 0 : i32
    %scan3A_23 = arith.constant 0 : i32
    %scan3A_24 = arith.constant 512 : i32
    %scan3A_25 = arith.addi %scan3A_23, %scan3A_24 : i32
    %scan3A_26 = arith.constant 4 : i32
    scf.for %scan3A_56 = %scan3A_23 to %scan3A_25 step %scan3A_26  : i32 {
      %mul3A_57 = arith.constant 16 : i32
      %mul3A_58 = arith.muli %scan3A_56, %mul3A_57 : i32
      %get3A = arith.index_cast %mul3A_58 : i32 to index
      %get3A_59 = tpu.vector_load %arg9[%get3A] {strides = array<i32>} : memref<8192xi32, #tpu.memory_space<vmem>>, vector<16xi32>,
      %gather3A = tpu.vector_load_idx %arg7[%get3A_59] : memref<100000xf32, #tpu.memory_space<vmem>>[vector<16xi32>], vector<16xf32>,
      %mul3A_60 = arith.constant 16 : i32
      %mul3A_61 = arith.muli %scan3A_56, %mul3A_60 : i32
      %add3A_62 = arith.constant 8192 : i32
      %add3A_63 = arith.addi %add3A_62, %mul3A_61 : i32
      %get3A_64 = arith.constant 0 : i32
      %get3A_65 = arith.index_cast %get3A_64 : i32 to index
      %get3A_66 = arith.index_cast %add3A_63 : i32 to index
      %get3A_67 = tpu.vector_load %arg8[%get3A_65, %get3A_66] {strides = array<i32>} : memref<1x16384xf32, #tpu.memory_space<vmem>>, vector<16xf32>,
      %mul3A_68 = arith.mulf %gather3A, %get3A_67 : vector<16xf32>
      %swap3A = arith.constant 0 : i32
      %swap3A_69 = arith.index_cast %swap3A : i32 to index
      %swap3A_70 = arith.index_cast %add3A_63 : i32 to index
      %swap3A_71 = tpu.vector_load %arg8[%swap3A_69, %swap3A_70] {strides = array<i32>} : memref<1x16384xf32, #tpu.memory_space<vmem>>, vector<16xf32>,
      tpu.vector_store %arg8[%swap3A_69, %swap3A_70], %mul3A_68 {strides = array<i32>} : memref<1x16384xf32, #tpu.memory_space<vmem>>, vector<16xf32>,
      %scan3A_72 = arith.constant 1 : i32
      %scan3A_73 = arith.addi %scan3A_56, %scan3A_72 : i32
      %mul3A_74 = arith.constant 16 : i32
      %mul3A_75 = arith.muli %scan3A_73, %mul3A_74 : i32
      %get3A_76 = arith.index_cast %mul3A_75 : i32 to index
      %get3A_77 = tpu.vector_load %arg9[%get3A_76] {strides = array<i32>} : memref<8192xi32, #tpu.memory_space<vmem>>, vector<16xi32>,
      %gather3A_78 = tpu.vector_load_idx %arg7[%get3A_77] : memref<100000xf32, #tpu.memory_space<vmem>>[vector<16xi32>], vector<16xf32>,
      %mul3A_79 = arith.constant 16 : i32
      %mul3A_80 = arith.muli %scan3A_73, %mul3A_79 : i32
      %add3A_81 = arith.constant 8192 : i32
      %add3A_82 = arith.addi %add3A_81, %mul3A_80 : i32
      %get3A_83 = arith.constant 0 : i32
      %get3A_84 = arith.index_cast %get3A_83 : i32 to index
      %get3A_85 = arith.index_cast %add3A_82 : i32 to index
      %get3A_86 = tpu.vector_load %arg8[%get3A_84, %get3A_85] {strides = array<i32>} : memref<1x16384xf32, #tpu.memory_space<vmem>>, vector<16xf32>,
      %mul3A_87 = arith.mulf %gather3A_78, %get3A_86 : vector<16xf32>
      %swap3A_88 = arith.constant 0 : i32
      %swap3A_89 = arith.index_cast %swap3A_88 : i32 to index
      %swap3A_90 = arith.index_cast %add3A_82 : i32 to index
      %swap3A_91 = tpu.vector_load %arg8[%swap3A_89, %swap3A_90] {strides = array<i32>} : memref<1x16384xf32, #tpu.memory_space<vmem>>, vector<16xf32>,
      tpu.vector_store %arg8[%swap3A_89, %swap3A_90], %mul3A_87 {strides = array<i32>} : memref<1x16384xf32, #tpu.memory_space<vmem>>, vector<16xf32>,
      %scan3A_92 = arith.constant 2 : i32
      %scan3A_93 = arith.addi %scan3A_56, %scan3A_92 : i32
      %mul3A_94 = arith.constant 16 : i32
      %mul3A_95 = arith.muli %scan3A_93, %mul3A_94 : i32
      %get3A_96 = arith.index_cast %mul3A_95 : i32 to index
      %get3A_97 = tpu.vector_load %arg9[%get3A_96] {strides = array<i32>} : memref<8192xi32, #tpu.memory_space<vmem>>, vector<16xi32>,
      %gather3A_98 = tpu.vector_load_idx %arg7[%get3A_97] : memref<100000xf32, #tpu.memory_space<vmem>>[vector<16xi32>], vector<16xf32>,
      %mul3A_99 = arith.constant 16 : i32
      %mul3A_100 = arith.muli %scan3A_93, %mul3A_99 : i32
      %add3A_101 = arith.constant 8192 : i32
      %add3A_102 = arith.addi %add3A_101, %mul3A_100 : i32
      %get3A_103 = arith.constant 0 : i32
      %get3A_104 = arith.index_cast %get3A_103 : i32 to index
      %get3A_105 = arith.index_cast %add3A_102 : i32 to index
      %get3A_106 = tpu.vector_load %arg8[%get3A_104, %get3A_105] {strides = array<i32>} : memref<1x16384xf32, #tpu.memory_space<vmem>>, vector<16xf32>,
      %mul3A_107 = arith.mulf %gather3A_98, %get3A_106 : vector<16xf32>
      %swap3A_108 = arith.constant 0 : i32
      %swap3A_109 = arith.index_cast %swap3A_108 : i32 to index
      %swap3A_110 = arith.index_cast %add3A_102 : i32 to index
      %swap3A_111 = tpu.vector_load %arg8[%swap3A_109, %swap3A_110] {strides = array<i32>} : memref<1x16384xf32, #tpu.memory_space<vmem>>, vector<16xf32>,
      tpu.vector_store %arg8[%swap3A_109, %swap3A_110], %mul3A_107 {strides = array<i32>} : memref<1x16384xf32, #tpu.memory_space<vmem>>, vector<16xf32>,
      %scan3A_112 = arith.constant 3 : i32
      %scan3A_113 = arith.addi %scan3A_56, %scan3A_112 : i32
      %mul3A_114 = arith.constant 16 : i32
      %mul3A_115 = arith.muli %scan3A_113, %mul3A_114 : i32
      %get3A_116 = arith.index_cast %mul3A_115 : i32 to index
      %get3A_117 = tpu.vector_load %arg9[%get3A_116] {strides = array<i32>} : memref<8192xi32, #tpu.memory_space<vmem>>, vector<16xi32>,
      %gather3A_118 = tpu.vector_load_idx %arg7[%get3A_117] : memref<100000xf32, #tpu.memory_space<vmem>>[vector<16xi32>], vector<16xf32>,
      %mul3A_119 = arith.constant 16 : i32
      %mul3A_120 = arith.muli %scan3A_113, %mul3A_119 : i32
      %add3A_121 = arith.constant 8192 : i32
      %add3A_122 = arith.addi %add3A_121, %mul3A_120 : i32
      %get3A_123 = arith.constant 0 : i32
      %get3A_124 = arith.index_cast %get3A_123 : i32 to index
      %get3A_125 = arith.index_cast %add3A_122 : i32 to index
      %get3A_126 = tpu.vector_load %arg8[%get3A_124, %get3A_125] {strides = array<i32>} : memref<1x16384xf32, #tpu.memory_space<vmem>>, vector<16xf32>,
      %mul3A_127 = arith.mulf %gather3A_118, %get3A_126 : vector<16xf32>
      %swap3A_128 = arith.constant 0 : i32
      %swap3A_129 = arith.index_cast %swap3A_128 : i32 to index
      %swap3A_130 = arith.index_cast %add3A_122 : i32 to index
      %swap3A_131 = tpu.vector_load %arg8[%swap3A_129, %swap3A_130] {strides = array<i32>} : memref<1x16384xf32, #tpu.memory_space<vmem>>, vector<16xf32>,
      tpu.vector_store %arg8[%swap3A_129, %swap3A_130], %mul3A_127 {strides = array<i32>} : memref<1x16384xf32, #tpu.memory_space<vmem>>, vector<16xf32>,
    }
    %scan3A_27 = arith.constant 512 : i32
    "tpu.region"() ({
      %run_scoped3A = tpu.sem_alloc : memref<!tpu.dma_semaphore, #tpu.memory_space<semaphore_mem>>
      %dma_start3A = arith.constant 0 : i32
      %dma_start3A_56 = arith.constant 8192 : i32
      %dma_start3A_57 = tpu.memref_slice %arg8[%dma_start3A, %dma_start3A_56] : memref<1x16384xf32, #tpu.memory_space<vmem>> -> memref<1x8192xf32, #tpu.memory_space<vmem>>
      %dma_start3A_58 = arith.constant 8192 : i32
      %dma_start3A_59 = tpu.memref_slice %arg6[%add3A_4, %dma_start3A_58] : memref<64x16384xf32, #tpu.memory_space<hbm>> -> memref<1x8192xf32, #tpu.memory_space<hbm>>
      %dma_start3A_60 = arith.constant 8192 : i32
      %dma_start3A_61 = tpu.memref_slice %arg6[%add3A_4, %dma_start3A_60] : memref<64x16384xf32, #tpu.memory_space<hbm>> -> memref<1x8192xf32, #tpu.memory_space<hbm>>
      %dma_start3A_62 = arith.constant 0 : i32
      %dma_start3A_63 = arith.constant 8192 : i32
      %dma_start3A_64 = tpu.memref_slice %arg8[%dma_start3A_62, %dma_start3A_63] : memref<1x16384xf32, #tpu.memory_space<vmem>> -> memref<1x8192xf32, #tpu.memory_space<vmem>>
      tpu.enqueue_dma source(%dma_start3A_64 : memref<1x8192xf32, #tpu.memory_space<vmem>>) target(%dma_start3A_61 : memref<1x8192xf32, #tpu.memory_space<hbm>>) target_semaphore(%run_scoped3A : memref<!tpu.dma_semaphore, #tpu.memory_space<semaphore_mem>>)
      %dma_wait3A = arith.constant 0 : i32
      %dma_wait3A_65 = arith.constant 8192 : i32
      %dma_wait3A_66 = tpu.memref_slice %arg8[%dma_wait3A, %dma_wait3A_65] : memref<1x16384xf32, #tpu.memory_space<vmem>> -> memref<1x8192xf32, #tpu.memory_space<vmem>>
      %dma_wait3A_67 = arith.constant 8192 : i32
      %dma_wait3A_68 = tpu.memref_slice %arg6[%add3A_4, %dma_wait3A_67] : memref<64x16384xf32, #tpu.memory_space<hbm>> -> memref<1x8192xf32, #tpu.memory_space<hbm>>
      %dma_wait3A_69 = arith.constant 8192 : i32
      %dma_wait3A_70 = tpu.memref_slice %arg6[%add3A_4, %dma_wait3A_69] : memref<64x16384xf32, #tpu.memory_space<hbm>> -> memref<1x8192xf32, #tpu.memory_space<hbm>>
      %dma_wait3A_71 = arith.constant 0 : i32
      %dma_wait3A_72 = arith.constant 8192 : i32
      %dma_wait3A_73 = tpu.memref_slice %arg8[%dma_wait3A_71, %dma_wait3A_72] : memref<1x16384xf32, #tpu.memory_space<vmem>> -> memref<1x8192xf32, #tpu.memory_space<vmem>>
      tpu.wait_dma2 semaphore(%run_scoped3A : memref<!tpu.dma_semaphore, #tpu.memory_space<semaphore_mem>>) src(%dma_wait3A_73 : memref<1x8192xf32, #tpu.memory_space<vmem>>) dst(%dma_wait3A_70 : memref<1x8192xf32, #tpu.memory_space<hbm>>)
      tpu.yield
    }) : () -> ()
    %mul3A_28 = arith.constant 2 : i32
    %mul3A_29 = arith.muli %add3A, %mul3A_28 : i32
    %add3A_30 = arith.constant 1 : i32
    %add3A_31 = arith.addi %mul3A_29, %add3A_30 : i32
    "tpu.region"() ({
      %run_scoped3A = tpu.sem_alloc : memref<!tpu.dma_semaphore, #tpu.memory_space<semaphore_mem>>
      %dma_start3A = arith.constant 0 : i32
      %dma_start3A_56 = tpu.memref_slice %arg4[%add3A_31, %dma_start3A] : memref<64x100000xf32, #tpu.memory_space<hbm>> -> memref<1x100000xf32, #tpu.memory_space<hbm>>
      %dma_start3A_57 = tpu.memref_squeeze %dma_start3A_56 : memref<1x100000xf32, #tpu.memory_space<hbm>> -> memref<100000xf32, #tpu.memory_space<hbm>>
      %dma_start3A_58 = arith.constant 0 : i32
      %dma_start3A_59 = tpu.memref_slice %arg4[%add3A_31, %dma_start3A_58] : memref<64x100000xf32, #tpu.memory_space<hbm>> -> memref<1x100000xf32, #tpu.memory_space<hbm>>
      %dma_start3A_60 = tpu.memref_squeeze %dma_start3A_59 : memref<1x100000xf32, #tpu.memory_space<hbm>> -> memref<100000xf32, #tpu.memory_space<hbm>>
      tpu.enqueue_dma source(%dma_start3A_60 : memref<100000xf32, #tpu.memory_space<hbm>>) target(%arg7 : memref<100000xf32, #tpu.memory_space<vmem>>) target_semaphore(%run_scoped3A : memref<!tpu.dma_semaphore, #tpu.memory_space<semaphore_mem>>)
      %dma_wait3A = arith.constant 0 : i32
      %dma_wait3A_61 = tpu.memref_slice %arg4[%add3A_31, %dma_wait3A] : memref<64x100000xf32, #tpu.memory_space<hbm>> -> memref<1x100000xf32, #tpu.memory_space<hbm>>
      %dma_wait3A_62 = tpu.memref_squeeze %dma_wait3A_61 : memref<1x100000xf32, #tpu.memory_space<hbm>> -> memref<100000xf32, #tpu.memory_space<hbm>>
      %dma_wait3A_63 = arith.constant 0 : i32
      %dma_wait3A_64 = tpu.memref_slice %arg4[%add3A_31, %dma_wait3A_63] : memref<64x100000xf32, #tpu.memory_space<hbm>> -> memref<1x100000xf32, #tpu.memory_space<hbm>>
      %dma_wait3A_65 = tpu.memref_squeeze %dma_wait3A_64 : memref<1x100000xf32, #tpu.memory_space<hbm>> -> memref<100000xf32, #tpu.memory_space<hbm>>
      tpu.wait_dma2 semaphore(%run_scoped3A : memref<!tpu.dma_semaphore, #tpu.memory_space<semaphore_mem>>) src(%dma_wait3A_65 : memref<100000xf32, #tpu.memory_space<hbm>>) dst(%arg7 : memref<100000xf32, #tpu.memory_space<vmem>>)
      tpu.yield
    }) : () -> ()
    "tpu.region"() ({
      %run_scoped3A = tpu.sem_alloc : memref<!tpu.dma_semaphore, #tpu.memory_space<semaphore_mem>>
      %dma_start3A = arith.constant 0 : i32
      %dma_start3A_56 = tpu.memref_slice %arg2[%dma_start3A] : memref<16384xi32, #tpu.memory_space<hbm>> -> memref<8192xi32, #tpu.memory_space<hbm>>
      %dma_start3A_57 = arith.constant 0 : i32
      %dma_start3A_58 = tpu.memref_slice %arg2[%dma_start3A_57] : memref<16384xi32, #tpu.memory_space<hbm>> -> memref<8192xi32, #tpu.memory_space<hbm>>
      tpu.enqueue_dma source(%dma_start3A_58 : memref<8192xi32, #tpu.memory_space<hbm>>) target(%arg9 : memref<8192xi32, #tpu.memory_space<vmem>>) target_semaphore(%run_scoped3A : memref<!tpu.dma_semaphore, #tpu.memory_space<semaphore_mem>>)
      %dma_wait3A = arith.constant 0 : i32
      %dma_wait3A_59 = tpu.memref_slice %arg2[%dma_wait3A] : memref<16384xi32, #tpu.memory_space<hbm>> -> memref<8192xi32, #tpu.memory_space<hbm>>
      %dma_wait3A_60 = arith.constant 0 : i32
      %dma_wait3A_61 = tpu.memref_slice %arg2[%dma_wait3A_60] : memref<16384xi32, #tpu.memory_space<hbm>> -> memref<8192xi32, #tpu.memory_space<hbm>>
      tpu.wait_dma2 semaphore(%run_scoped3A : memref<!tpu.dma_semaphore, #tpu.memory_space<semaphore_mem>>) src(%dma_wait3A_61 : memref<8192xi32, #tpu.memory_space<hbm>>) dst(%arg9 : memref<8192xi32, #tpu.memory_space<vmem>>)
      tpu.yield
    }) : () -> ()
    %scan3A_32 = arith.constant 0 : i32
    %scan3A_33 = arith.constant 0 : i32
    %scan3A_34 = arith.constant 512 : i32
    %scan3A_35 = arith.addi %scan3A_33, %scan3A_34 : i32
    %scan3A_36 = arith.constant 4 : i32
    scf.for %scan3A_56 = %scan3A_33 to %scan3A_35 step %scan3A_36  : i32 {
      %mul3A_57 = arith.constant 16 : i32
      %mul3A_58 = arith.muli %scan3A_56, %mul3A_57 : i32
      %get3A = arith.index_cast %mul3A_58 : i32 to index
      %get3A_59 = tpu.vector_load %arg9[%get3A] {strides = array<i32>} : memref<8192xi32, #tpu.memory_space<vmem>>, vector<16xi32>,
      %gather3A = tpu.vector_load_idx %arg7[%get3A_59] : memref<100000xf32, #tpu.memory_space<vmem>>[vector<16xi32>], vector<16xf32>,
      %mul3A_60 = arith.constant 16 : i32
      %mul3A_61 = arith.muli %scan3A_56, %mul3A_60 : i32
      %add3A_62 = arith.constant 0 : i32
      %add3A_63 = arith.addi %add3A_62, %mul3A_61 : i32
      %swap3A = arith.constant 0 : i32
      %swap3A_64 = arith.index_cast %swap3A : i32 to index
      %swap3A_65 = arith.index_cast %add3A_63 : i32 to index
      %swap3A_66 = tpu.vector_load %arg8[%swap3A_64, %swap3A_65] {strides = array<i32>} : memref<1x16384xf32, #tpu.memory_space<vmem>>, vector<16xf32>,
      tpu.vector_store %arg8[%swap3A_64, %swap3A_65], %gather3A {strides = array<i32>} : memref<1x16384xf32, #tpu.memory_space<vmem>>, vector<16xf32>,
      %scan3A_67 = arith.constant 1 : i32
      %scan3A_68 = arith.addi %scan3A_56, %scan3A_67 : i32
      %mul3A_69 = arith.constant 16 : i32
      %mul3A_70 = arith.muli %scan3A_68, %mul3A_69 : i32
      %get3A_71 = arith.index_cast %mul3A_70 : i32 to index
      %get3A_72 = tpu.vector_load %arg9[%get3A_71] {strides = array<i32>} : memref<8192xi32, #tpu.memory_space<vmem>>, vector<16xi32>,
      %gather3A_73 = tpu.vector_load_idx %arg7[%get3A_72] : memref<100000xf32, #tpu.memory_space<vmem>>[vector<16xi32>], vector<16xf32>,
      %mul3A_74 = arith.constant 16 : i32
      %mul3A_75 = arith.muli %scan3A_68, %mul3A_74 : i32
      %add3A_76 = arith.constant 0 : i32
      %add3A_77 = arith.addi %add3A_76, %mul3A_75 : i32
      %swap3A_78 = arith.constant 0 : i32
      %swap3A_79 = arith.index_cast %swap3A_78 : i32 to index
      %swap3A_80 = arith.index_cast %add3A_77 : i32 to index
      %swap3A_81 = tpu.vector_load %arg8[%swap3A_79, %swap3A_80] {strides = array<i32>} : memref<1x16384xf32, #tpu.memory_space<vmem>>, vector<16xf32>,
      tpu.vector_store %arg8[%swap3A_79, %swap3A_80], %gather3A_73 {strides = array<i32>} : memref<1x16384xf32, #tpu.memory_space<vmem>>, vector<16xf32>,
      %scan3A_82 = arith.constant 2 : i32
      %scan3A_83 = arith.addi %scan3A_56, %scan3A_82 : i32
      %mul3A_84 = arith.constant 16 : i32
      %mul3A_85 = arith.muli %scan3A_83, %mul3A_84 : i32
      %get3A_86 = arith.index_cast %mul3A_85 : i32 to index
      %get3A_87 = tpu.vector_load %arg9[%get3A_86] {strides = array<i32>} : memref<8192xi32, #tpu.memory_space<vmem>>, vector<16xi32>,
      %gather3A_88 = tpu.vector_load_idx %arg7[%get3A_87] : memref<100000xf32, #tpu.memory_space<vmem>>[vector<16xi32>], vector<16xf32>,
      %mul3A_89 = arith.constant 16 : i32
      %mul3A_90 = arith.muli %scan3A_83, %mul3A_89 : i32
      %add3A_91 = arith.constant 0 : i32
      %add3A_92 = arith.addi %add3A_91, %mul3A_90 : i32
      %swap3A_93 = arith.constant 0 : i32
      %swap3A_94 = arith.index_cast %swap3A_93 : i32 to index
      %swap3A_95 = arith.index_cast %add3A_92 : i32 to index
      %swap3A_96 = tpu.vector_load %arg8[%swap3A_94, %swap3A_95] {strides = array<i32>} : memref<1x16384xf32, #tpu.memory_space<vmem>>, vector<16xf32>,
      tpu.vector_store %arg8[%swap3A_94, %swap3A_95], %gather3A_88 {strides = array<i32>} : memref<1x16384xf32, #tpu.memory_space<vmem>>, vector<16xf32>,
      %scan3A_97 = arith.constant 3 : i32
      %scan3A_98 = arith.addi %scan3A_56, %scan3A_97 : i32
      %mul3A_99 = arith.constant 16 : i32
      %mul3A_100 = arith.muli %scan3A_98, %mul3A_99 : i32
      %get3A_101 = arith.index_cast %mul3A_100 : i32 to index
      %get3A_102 = tpu.vector_load %arg9[%get3A_101] {strides = array<i32>} : memref<8192xi32, #tpu.memory_space<vmem>>, vector<16xi32>,
      %gather3A_103 = tpu.vector_load_idx %arg7[%get3A_102] : memref<100000xf32, #tpu.memory_space<vmem>>[vector<16xi32>], vector<16xf32>,
      %mul3A_104 = arith.constant 16 : i32
      %mul3A_105 = arith.muli %scan3A_98, %mul3A_104 : i32
      %add3A_106 = arith.constant 0 : i32
      %add3A_107 = arith.addi %add3A_106, %mul3A_105 : i32
      %swap3A_108 = arith.constant 0 : i32
      %swap3A_109 = arith.index_cast %swap3A_108 : i32 to index
      %swap3A_110 = arith.index_cast %add3A_107 : i32 to index
      %swap3A_111 = tpu.vector_load %arg8[%swap3A_109, %swap3A_110] {strides = array<i32>} : memref<1x16384xf32, #tpu.memory_space<vmem>>, vector<16xf32>,
      tpu.vector_store %arg8[%swap3A_109, %swap3A_110], %gather3A_103 {strides = array<i32>} : memref<1x16384xf32, #tpu.memory_space<vmem>>, vector<16xf32>,
    }
    %scan3A_37 = arith.constant 512 : i32
    "tpu.region"() ({
      %run_scoped3A = tpu.sem_alloc : memref<!tpu.dma_semaphore, #tpu.memory_space<semaphore_mem>>
      %dma_start3A = arith.constant 8192 : i32
      %dma_start3A_56 = tpu.memref_slice %arg2[%dma_start3A] : memref<16384xi32, #tpu.memory_space<hbm>> -> memref<8192xi32, #tpu.memory_space<hbm>>
      %dma_start3A_57 = arith.constant 8192 : i32
      %dma_start3A_58 = tpu.memref_slice %arg2[%dma_start3A_57] : memref<16384xi32, #tpu.memory_space<hbm>> -> memref<8192xi32, #tpu.memory_space<hbm>>
      tpu.enqueue_dma source(%dma_start3A_58 : memref<8192xi32, #tpu.memory_space<hbm>>) target(%arg9 : memref<8192xi32, #tpu.memory_space<vmem>>) target_semaphore(%run_scoped3A : memref<!tpu.dma_semaphore, #tpu.memory_space<semaphore_mem>>)
      %dma_wait3A = arith.constant 8192 : i32
      %dma_wait3A_59 = tpu.memref_slice %arg2[%dma_wait3A] : memref<16384xi32, #tpu.memory_space<hbm>> -> memref<8192xi32, #tpu.memory_space<hbm>>
      %dma_wait3A_60 = arith.constant 8192 : i32
      %dma_wait3A_61 = tpu.memref_slice %arg2[%dma_wait3A_60] : memref<16384xi32, #tpu.memory_space<hbm>> -> memref<8192xi32, #tpu.memory_space<hbm>>
      tpu.wait_dma2 semaphore(%run_scoped3A : memref<!tpu.dma_semaphore, #tpu.memory_space<semaphore_mem>>) src(%dma_wait3A_61 : memref<8192xi32, #tpu.memory_space<hbm>>) dst(%arg9 : memref<8192xi32, #tpu.memory_space<vmem>>)
      tpu.yield
    }) : () -> ()
    %scan3A_38 = arith.constant 0 : i32
    %scan3A_39 = arith.constant 0 : i32
    %scan3A_40 = arith.constant 512 : i32
    %scan3A_41 = arith.addi %scan3A_39, %scan3A_40 : i32
    %scan3A_42 = arith.constant 4 : i32
    scf.for %scan3A_56 = %scan3A_39 to %scan3A_41 step %scan3A_42  : i32 {
      %mul3A_57 = arith.constant 16 : i32
      %mul3A_58 = arith.muli %scan3A_56, %mul3A_57 : i32
      %get3A = arith.index_cast %mul3A_58 : i32 to index
      %get3A_59 = tpu.vector_load %arg9[%get3A] {strides = array<i32>} : memref<8192xi32, #tpu.memory_space<vmem>>, vector<16xi32>,
      %gather3A = tpu.vector_load_idx %arg7[%get3A_59] : memref<100000xf32, #tpu.memory_space<vmem>>[vector<16xi32>], vector<16xf32>,
      %mul3A_60 = arith.constant 16 : i32
      %mul3A_61 = arith.muli %scan3A_56, %mul3A_60 : i32
      %add3A_62 = arith.constant 8192 : i32
      %add3A_63 = arith.addi %add3A_62, %mul3A_61 : i32
      %swap3A = arith.constant 0 : i32
      %swap3A_64 = arith.index_cast %swap3A : i32 to index
      %swap3A_65 = arith.index_cast %add3A_63 : i32 to index
      %swap3A_66 = tpu.vector_load %arg8[%swap3A_64, %swap3A_65] {strides = array<i32>} : memref<1x16384xf32, #tpu.memory_space<vmem>>, vector<16xf32>,
      tpu.vector_store %arg8[%swap3A_64, %swap3A_65], %gather3A {strides = array<i32>} : memref<1x16384xf32, #tpu.memory_space<vmem>>, vector<16xf32>,
      %scan3A_67 = arith.constant 1 : i32
      %scan3A_68 = arith.addi %scan3A_56, %scan3A_67 : i32
      %mul3A_69 = arith.constant 16 : i32
      %mul3A_70 = arith.muli %scan3A_68, %mul3A_69 : i32
      %get3A_71 = arith.index_cast %mul3A_70 : i32 to index
      %get3A_72 = tpu.vector_load %arg9[%get3A_71] {strides = array<i32>} : memref<8192xi32, #tpu.memory_space<vmem>>, vector<16xi32>,
      %gather3A_73 = tpu.vector_load_idx %arg7[%get3A_72] : memref<100000xf32, #tpu.memory_space<vmem>>[vector<16xi32>], vector<16xf32>,
      %mul3A_74 = arith.constant 16 : i32
      %mul3A_75 = arith.muli %scan3A_68, %mul3A_74 : i32
      %add3A_76 = arith.constant 8192 : i32
      %add3A_77 = arith.addi %add3A_76, %mul3A_75 : i32
      %swap3A_78 = arith.constant 0 : i32
      %swap3A_79 = arith.index_cast %swap3A_78 : i32 to index
      %swap3A_80 = arith.index_cast %add3A_77 : i32 to index
      %swap3A_81 = tpu.vector_load %arg8[%swap3A_79, %swap3A_80] {strides = array<i32>} : memref<1x16384xf32, #tpu.memory_space<vmem>>, vector<16xf32>,
      tpu.vector_store %arg8[%swap3A_79, %swap3A_80], %gather3A_73 {strides = array<i32>} : memref<1x16384xf32, #tpu.memory_space<vmem>>, vector<16xf32>,
      %scan3A_82 = arith.constant 2 : i32
      %scan3A_83 = arith.addi %scan3A_56, %scan3A_82 : i32
      %mul3A_84 = arith.constant 16 : i32
      %mul3A_85 = arith.muli %scan3A_83, %mul3A_84 : i32
      %get3A_86 = arith.index_cast %mul3A_85 : i32 to index
      %get3A_87 = tpu.vector_load %arg9[%get3A_86] {strides = array<i32>} : memref<8192xi32, #tpu.memory_space<vmem>>, vector<16xi32>,
      %gather3A_88 = tpu.vector_load_idx %arg7[%get3A_87] : memref<100000xf32, #tpu.memory_space<vmem>>[vector<16xi32>], vector<16xf32>,
      %mul3A_89 = arith.constant 16 : i32
      %mul3A_90 = arith.muli %scan3A_83, %mul3A_89 : i32
      %add3A_91 = arith.constant 8192 : i32
      %add3A_92 = arith.addi %add3A_91, %mul3A_90 : i32
      %swap3A_93 = arith.constant 0 : i32
      %swap3A_94 = arith.index_cast %swap3A_93 : i32 to index
      %swap3A_95 = arith.index_cast %add3A_92 : i32 to index
      %swap3A_96 = tpu.vector_load %arg8[%swap3A_94, %swap3A_95] {strides = array<i32>} : memref<1x16384xf32, #tpu.memory_space<vmem>>, vector<16xf32>,
      tpu.vector_store %arg8[%swap3A_94, %swap3A_95], %gather3A_88 {strides = array<i32>} : memref<1x16384xf32, #tpu.memory_space<vmem>>, vector<16xf32>,
      %scan3A_97 = arith.constant 3 : i32
      %scan3A_98 = arith.addi %scan3A_56, %scan3A_97 : i32
      %mul3A_99 = arith.constant 16 : i32
      %mul3A_100 = arith.muli %scan3A_98, %mul3A_99 : i32
      %get3A_101 = arith.index_cast %mul3A_100 : i32 to index
      %get3A_102 = tpu.vector_load %arg9[%get3A_101] {strides = array<i32>} : memref<8192xi32, #tpu.memory_space<vmem>>, vector<16xi32>,
      %gather3A_103 = tpu.vector_load_idx %arg7[%get3A_102] : memref<100000xf32, #tpu.memory_space<vmem>>[vector<16xi32>], vector<16xf32>,
      %mul3A_104 = arith.constant 16 : i32
      %mul3A_105 = arith.muli %scan3A_98, %mul3A_104 : i32
      %add3A_106 = arith.constant 8192 : i32
      %add3A_107 = arith.addi %add3A_106, %mul3A_105 : i32
      %swap3A_108 = arith.constant 0 : i32
      %swap3A_109 = arith.index_cast %swap3A_108 : i32 to index
      %swap3A_110 = arith.index_cast %add3A_107 : i32 to index
      %swap3A_111 = tpu.vector_load %arg8[%swap3A_109, %swap3A_110] {strides = array<i32>} : memref<1x16384xf32, #tpu.memory_space<vmem>>, vector<16xf32>,
      tpu.vector_store %arg8[%swap3A_109, %swap3A_110], %gather3A_103 {strides = array<i32>} : memref<1x16384xf32, #tpu.memory_space<vmem>>, vector<16xf32>,
    }
    %scan3A_43 = arith.constant 512 : i32
    "tpu.region"() ({
      %run_scoped3A = tpu.sem_alloc : memref<!tpu.dma_semaphore, #tpu.memory_space<semaphore_mem>>
      %dma_start3A = arith.constant 0 : i32
      %dma_start3A_56 = tpu.memref_slice %arg5[%add3A_31, %dma_start3A] : memref<64x100000xf32, #tpu.memory_space<hbm>> -> memref<1x100000xf32, #tpu.memory_space<hbm>>
      %dma_start3A_57 = tpu.memref_squeeze %dma_start3A_56 : memref<1x100000xf32, #tpu.memory_space<hbm>> -> memref<100000xf32, #tpu.memory_space<hbm>>
      %dma_start3A_58 = arith.constant 0 : i32
      %dma_start3A_59 = tpu.memref_slice %arg5[%add3A_31, %dma_start3A_58] : memref<64x100000xf32, #tpu.memory_space<hbm>> -> memref<1x100000xf32, #tpu.memory_space<hbm>>
      %dma_start3A_60 = tpu.memref_squeeze %dma_start3A_59 : memref<1x100000xf32, #tpu.memory_space<hbm>> -> memref<100000xf32, #tpu.memory_space<hbm>>
      tpu.enqueue_dma source(%dma_start3A_60 : memref<100000xf32, #tpu.memory_space<hbm>>) target(%arg7 : memref<100000xf32, #tpu.memory_space<vmem>>) target_semaphore(%run_scoped3A : memref<!tpu.dma_semaphore, #tpu.memory_space<semaphore_mem>>)
      %dma_wait3A = arith.constant 0 : i32
      %dma_wait3A_61 = tpu.memref_slice %arg5[%add3A_31, %dma_wait3A] : memref<64x100000xf32, #tpu.memory_space<hbm>> -> memref<1x100000xf32, #tpu.memory_space<hbm>>
      %dma_wait3A_62 = tpu.memref_squeeze %dma_wait3A_61 : memref<1x100000xf32, #tpu.memory_space<hbm>> -> memref<100000xf32, #tpu.memory_space<hbm>>
      %dma_wait3A_63 = arith.constant 0 : i32
      %dma_wait3A_64 = tpu.memref_slice %arg5[%add3A_31, %dma_wait3A_63] : memref<64x100000xf32, #tpu.memory_space<hbm>> -> memref<1x100000xf32, #tpu.memory_space<hbm>>
      %dma_wait3A_65 = tpu.memref_squeeze %dma_wait3A_64 : memref<1x100000xf32, #tpu.memory_space<hbm>> -> memref<100000xf32, #tpu.memory_space<hbm>>
      tpu.wait_dma2 semaphore(%run_scoped3A : memref<!tpu.dma_semaphore, #tpu.memory_space<semaphore_mem>>) src(%dma_wait3A_65 : memref<100000xf32, #tpu.memory_space<hbm>>) dst(%arg7 : memref<100000xf32, #tpu.memory_space<vmem>>)
      tpu.yield
    }) : () -> ()
    "tpu.region"() ({
      %run_scoped3A = tpu.sem_alloc : memref<!tpu.dma_semaphore, #tpu.memory_space<semaphore_mem>>
      %dma_start3A = arith.constant 0 : i32
      %dma_start3A_56 = tpu.memref_slice %arg3[%dma_start3A] : memref<16384xi32, #tpu.memory_space<hbm>> -> memref<8192xi32, #tpu.memory_space<hbm>>
      %dma_start3A_57 = arith.constant 0 : i32
      %dma_start3A_58 = tpu.memref_slice %arg3[%dma_start3A_57] : memref<16384xi32, #tpu.memory_space<hbm>> -> memref<8192xi32, #tpu.memory_space<hbm>>
      tpu.enqueue_dma source(%dma_start3A_58 : memref<8192xi32, #tpu.memory_space<hbm>>) target(%arg9 : memref<8192xi32, #tpu.memory_space<vmem>>) target_semaphore(%run_scoped3A : memref<!tpu.dma_semaphore, #tpu.memory_space<semaphore_mem>>)
      %dma_wait3A = arith.constant 0 : i32
      %dma_wait3A_59 = tpu.memref_slice %arg3[%dma_wait3A] : memref<16384xi32, #tpu.memory_space<hbm>> -> memref<8192xi32, #tpu.memory_space<hbm>>
      %dma_wait3A_60 = arith.constant 0 : i32
      %dma_wait3A_61 = tpu.memref_slice %arg3[%dma_wait3A_60] : memref<16384xi32, #tpu.memory_space<hbm>> -> memref<8192xi32, #tpu.memory_space<hbm>>
      tpu.wait_dma2 semaphore(%run_scoped3A : memref<!tpu.dma_semaphore, #tpu.memory_space<semaphore_mem>>) src(%dma_wait3A_61 : memref<8192xi32, #tpu.memory_space<hbm>>) dst(%arg9 : memref<8192xi32, #tpu.memory_space<vmem>>)
      tpu.yield
    }) : () -> ()
    %scan3A_44 = arith.constant 0 : i32
    %scan3A_45 = arith.constant 0 : i32
    %scan3A_46 = arith.constant 512 : i32
    %scan3A_47 = arith.addi %scan3A_45, %scan3A_46 : i32
    %scan3A_48 = arith.constant 4 : i32
    scf.for %scan3A_56 = %scan3A_45 to %scan3A_47 step %scan3A_48  : i32 {
      %mul3A_57 = arith.constant 16 : i32
      %mul3A_58 = arith.muli %scan3A_56, %mul3A_57 : i32
      %get3A = arith.index_cast %mul3A_58 : i32 to index
      %get3A_59 = tpu.vector_load %arg9[%get3A] {strides = array<i32>} : memref<8192xi32, #tpu.memory_space<vmem>>, vector<16xi32>,
      %gather3A = tpu.vector_load_idx %arg7[%get3A_59] : memref<100000xf32, #tpu.memory_space<vmem>>[vector<16xi32>], vector<16xf32>,
      %mul3A_60 = arith.constant 16 : i32
      %mul3A_61 = arith.muli %scan3A_56, %mul3A_60 : i32
      %add3A_62 = arith.constant 0 : i32
      %add3A_63 = arith.addi %add3A_62, %mul3A_61 : i32
      %get3A_64 = arith.constant 0 : i32
      %get3A_65 = arith.index_cast %get3A_64 : i32 to index
      %get3A_66 = arith.index_cast %add3A_63 : i32 to index
      %get3A_67 = tpu.vector_load %arg8[%get3A_65, %get3A_66] {strides = array<i32>} : memref<1x16384xf32, #tpu.memory_space<vmem>>, vector<16xf32>,
      %mul3A_68 = arith.mulf %gather3A, %get3A_67 : vector<16xf32>
      %swap3A = arith.constant 0 : i32
      %swap3A_69 = arith.index_cast %swap3A : i32 to index
      %swap3A_70 = arith.index_cast %add3A_63 : i32 to index
      %swap3A_71 = tpu.vector_load %arg8[%swap3A_69, %swap3A_70] {strides = array<i32>} : memref<1x16384xf32, #tpu.memory_space<vmem>>, vector<16xf32>,
      tpu.vector_store %arg8[%swap3A_69, %swap3A_70], %mul3A_68 {strides = array<i32>} : memref<1x16384xf32, #tpu.memory_space<vmem>>, vector<16xf32>,
      %scan3A_72 = arith.constant 1 : i32
      %scan3A_73 = arith.addi %scan3A_56, %scan3A_72 : i32
      %mul3A_74 = arith.constant 16 : i32
      %mul3A_75 = arith.muli %scan3A_73, %mul3A_74 : i32
      %get3A_76 = arith.index_cast %mul3A_75 : i32 to index
      %get3A_77 = tpu.vector_load %arg9[%get3A_76] {strides = array<i32>} : memref<8192xi32, #tpu.memory_space<vmem>>, vector<16xi32>,
      %gather3A_78 = tpu.vector_load_idx %arg7[%get3A_77] : memref<100000xf32, #tpu.memory_space<vmem>>[vector<16xi32>], vector<16xf32>,
      %mul3A_79 = arith.constant 16 : i32
      %mul3A_80 = arith.muli %scan3A_73, %mul3A_79 : i32
      %add3A_81 = arith.constant 0 : i32
      %add3A_82 = arith.addi %add3A_81, %mul3A_80 : i32
      %get3A_83 = arith.constant 0 : i32
      %get3A_84 = arith.index_cast %get3A_83 : i32 to index
      %get3A_85 = arith.index_cast %add3A_82 : i32 to index
      %get3A_86 = tpu.vector_load %arg8[%get3A_84, %get3A_85] {strides = array<i32>} : memref<1x16384xf32, #tpu.memory_space<vmem>>, vector<16xf32>,
      %mul3A_87 = arith.mulf %gather3A_78, %get3A_86 : vector<16xf32>
      %swap3A_88 = arith.constant 0 : i32
      %swap3A_89 = arith.index_cast %swap3A_88 : i32 to index
      %swap3A_90 = arith.index_cast %add3A_82 : i32 to index
      %swap3A_91 = tpu.vector_load %arg8[%swap3A_89, %swap3A_90] {strides = array<i32>} : memref<1x16384xf32, #tpu.memory_space<vmem>>, vector<16xf32>,
      tpu.vector_store %arg8[%swap3A_89, %swap3A_90], %mul3A_87 {strides = array<i32>} : memref<1x16384xf32, #tpu.memory_space<vmem>>, vector<16xf32>,
      %scan3A_92 = arith.constant 2 : i32
      %scan3A_93 = arith.addi %scan3A_56, %scan3A_92 : i32
      %mul3A_94 = arith.constant 16 : i32
      %mul3A_95 = arith.muli %scan3A_93, %mul3A_94 : i32
      %get3A_96 = arith.index_cast %mul3A_95 : i32 to index
      %get3A_97 = tpu.vector_load %arg9[%get3A_96] {strides = array<i32>} : memref<8192xi32, #tpu.memory_space<vmem>>, vector<16xi32>,
      %gather3A_98 = tpu.vector_load_idx %arg7[%get3A_97] : memref<100000xf32, #tpu.memory_space<vmem>>[vector<16xi32>], vector<16xf32>,
      %mul3A_99 = arith.constant 16 : i32
      %mul3A_100 = arith.muli %scan3A_93, %mul3A_99 : i32
      %add3A_101 = arith.constant 0 : i32
      %add3A_102 = arith.addi %add3A_101, %mul3A_100 : i32
      %get3A_103 = arith.constant 0 : i32
      %get3A_104 = arith.index_cast %get3A_103 : i32 to index
      %get3A_105 = arith.index_cast %add3A_102 : i32 to index
      %get3A_106 = tpu.vector_load %arg8[%get3A_104, %get3A_105] {strides = array<i32>} : memref<1x16384xf32, #tpu.memory_space<vmem>>, vector<16xf32>,
      %mul3A_107 = arith.mulf %gather3A_98, %get3A_106 : vector<16xf32>
      %swap3A_108 = arith.constant 0 : i32
      %swap3A_109 = arith.index_cast %swap3A_108 : i32 to index
      %swap3A_110 = arith.index_cast %add3A_102 : i32 to index
      %swap3A_111 = tpu.vector_load %arg8[%swap3A_109, %swap3A_110] {strides = array<i32>} : memref<1x16384xf32, #tpu.memory_space<vmem>>, vector<16xf32>,
      tpu.vector_store %arg8[%swap3A_109, %swap3A_110], %mul3A_107 {strides = array<i32>} : memref<1x16384xf32, #tpu.memory_space<vmem>>, vector<16xf32>,
      %scan3A_112 = arith.constant 3 : i32
      %scan3A_113 = arith.addi %scan3A_56, %scan3A_112 : i32
      %mul3A_114 = arith.constant 16 : i32
      %mul3A_115 = arith.muli %scan3A_113, %mul3A_114 : i32
      %get3A_116 = arith.index_cast %mul3A_115 : i32 to index
      %get3A_117 = tpu.vector_load %arg9[%get3A_116] {strides = array<i32>} : memref<8192xi32, #tpu.memory_space<vmem>>, vector<16xi32>,
      %gather3A_118 = tpu.vector_load_idx %arg7[%get3A_117] : memref<100000xf32, #tpu.memory_space<vmem>>[vector<16xi32>], vector<16xf32>,
      %mul3A_119 = arith.constant 16 : i32
      %mul3A_120 = arith.muli %scan3A_113, %mul3A_119 : i32
      %add3A_121 = arith.constant 0 : i32
      %add3A_122 = arith.addi %add3A_121, %mul3A_120 : i32
      %get3A_123 = arith.constant 0 : i32
      %get3A_124 = arith.index_cast %get3A_123 : i32 to index
      %get3A_125 = arith.index_cast %add3A_122 : i32 to index
      %get3A_126 = tpu.vector_load %arg8[%get3A_124, %get3A_125] {strides = array<i32>} : memref<1x16384xf32, #tpu.memory_space<vmem>>, vector<16xf32>,
      %mul3A_127 = arith.mulf %gather3A_118, %get3A_126 : vector<16xf32>
      %swap3A_128 = arith.constant 0 : i32
      %swap3A_129 = arith.index_cast %swap3A_128 : i32 to index
      %swap3A_130 = arith.index_cast %add3A_122 : i32 to index
      %swap3A_131 = tpu.vector_load %arg8[%swap3A_129, %swap3A_130] {strides = array<i32>} : memref<1x16384xf32, #tpu.memory_space<vmem>>, vector<16xf32>,
      tpu.vector_store %arg8[%swap3A_129, %swap3A_130], %mul3A_127 {strides = array<i32>} : memref<1x16384xf32, #tpu.memory_space<vmem>>, vector<16xf32>,
    }
    %scan3A_49 = arith.constant 512 : i32
    "tpu.region"() ({
      %run_scoped3A = tpu.sem_alloc : memref<!tpu.dma_semaphore, #tpu.memory_space<semaphore_mem>>
      %dma_start3A = arith.constant 0 : i32
      %dma_start3A_56 = arith.constant 0 : i32
      %dma_start3A_57 = tpu.memref_slice %arg8[%dma_start3A, %dma_start3A_56] : memref<1x16384xf32, #tpu.memory_space<vmem>> -> memref<1x8192xf32, #tpu.memory_space<vmem>>
      %dma_start3A_58 = arith.constant 0 : i32
      %dma_start3A_59 = tpu.memref_slice %arg6[%add3A_31, %dma_start3A_58] : memref<64x16384xf32, #tpu.memory_space<hbm>> -> memref<1x8192xf32, #tpu.memory_space<hbm>>
      %dma_start3A_60 = arith.constant 0 : i32
      %dma_start3A_61 = tpu.memref_slice %arg6[%add3A_31, %dma_start3A_60] : memref<64x16384xf32, #tpu.memory_space<hbm>> -> memref<1x8192xf32, #tpu.memory_space<hbm>>
      %dma_start3A_62 = arith.constant 0 : i32
      %dma_start3A_63 = arith.constant 0 : i32
      %dma_start3A_64 = tpu.memref_slice %arg8[%dma_start3A_62, %dma_start3A_63] : memref<1x16384xf32, #tpu.memory_space<vmem>> -> memref<1x8192xf32, #tpu.memory_space<vmem>>
      tpu.enqueue_dma source(%dma_start3A_64 : memref<1x8192xf32, #tpu.memory_space<vmem>>) target(%dma_start3A_61 : memref<1x8192xf32, #tpu.memory_space<hbm>>) target_semaphore(%run_scoped3A : memref<!tpu.dma_semaphore, #tpu.memory_space<semaphore_mem>>)
      %dma_wait3A = arith.constant 0 : i32
      %dma_wait3A_65 = arith.constant 0 : i32
      %dma_wait3A_66 = tpu.memref_slice %arg8[%dma_wait3A, %dma_wait3A_65] : memref<1x16384xf32, #tpu.memory_space<vmem>> -> memref<1x8192xf32, #tpu.memory_space<vmem>>
      %dma_wait3A_67 = arith.constant 0 : i32
      %dma_wait3A_68 = tpu.memref_slice %arg6[%add3A_31, %dma_wait3A_67] : memref<64x16384xf32, #tpu.memory_space<hbm>> -> memref<1x8192xf32, #tpu.memory_space<hbm>>
      %dma_wait3A_69 = arith.constant 0 : i32
      %dma_wait3A_70 = tpu.memref_slice %arg6[%add3A_31, %dma_wait3A_69] : memref<64x16384xf32, #tpu.memory_space<hbm>> -> memref<1x8192xf32, #tpu.memory_space<hbm>>
      %dma_wait3A_71 = arith.constant 0 : i32
      %dma_wait3A_72 = arith.constant 0 : i32
      %dma_wait3A_73 = tpu.memref_slice %arg8[%dma_wait3A_71, %dma_wait3A_72] : memref<1x16384xf32, #tpu.memory_space<vmem>> -> memref<1x8192xf32, #tpu.memory_space<vmem>>
      tpu.wait_dma2 semaphore(%run_scoped3A : memref<!tpu.dma_semaphore, #tpu.memory_space<semaphore_mem>>) src(%dma_wait3A_73 : memref<1x8192xf32, #tpu.memory_space<vmem>>) dst(%dma_wait3A_70 : memref<1x8192xf32, #tpu.memory_space<hbm>>)
      tpu.yield
    }) : () -> ()
    "tpu.region"() ({
      %run_scoped3A = tpu.sem_alloc : memref<!tpu.dma_semaphore, #tpu.memory_space<semaphore_mem>>
      %dma_start3A = arith.constant 8192 : i32
      %dma_start3A_56 = tpu.memref_slice %arg3[%dma_start3A] : memref<16384xi32, #tpu.memory_space<hbm>> -> memref<8192xi32, #tpu.memory_space<hbm>>
      %dma_start3A_57 = arith.constant 8192 : i32
      %dma_start3A_58 = tpu.memref_slice %arg3[%dma_start3A_57] : memref<16384xi32, #tpu.memory_space<hbm>> -> memref<8192xi32, #tpu.memory_space<hbm>>
      tpu.enqueue_dma source(%dma_start3A_58 : memref<8192xi32, #tpu.memory_space<hbm>>) target(%arg9 : memref<8192xi32, #tpu.memory_space<vmem>>) target_semaphore(%run_scoped3A : memref<!tpu.dma_semaphore, #tpu.memory_space<semaphore_mem>>)
      %dma_wait3A = arith.constant 8192 : i32
      %dma_wait3A_59 = tpu.memref_slice %arg3[%dma_wait3A] : memref<16384xi32, #tpu.memory_space<hbm>> -> memref<8192xi32, #tpu.memory_space<hbm>>
      %dma_wait3A_60 = arith.constant 8192 : i32
      %dma_wait3A_61 = tpu.memref_slice %arg3[%dma_wait3A_60] : memref<16384xi32, #tpu.memory_space<hbm>> -> memref<8192xi32, #tpu.memory_space<hbm>>
      tpu.wait_dma2 semaphore(%run_scoped3A : memref<!tpu.dma_semaphore, #tpu.memory_space<semaphore_mem>>) src(%dma_wait3A_61 : memref<8192xi32, #tpu.memory_space<hbm>>) dst(%arg9 : memref<8192xi32, #tpu.memory_space<vmem>>)
      tpu.yield
    }) : () -> ()
    %scan3A_50 = arith.constant 0 : i32
    %scan3A_51 = arith.constant 0 : i32
    %scan3A_52 = arith.constant 512 : i32
    %scan3A_53 = arith.addi %scan3A_51, %scan3A_52 : i32
    %scan3A_54 = arith.constant 4 : i32
    scf.for %scan3A_56 = %scan3A_51 to %scan3A_53 step %scan3A_54  : i32 {
      %mul3A_57 = arith.constant 16 : i32
      %mul3A_58 = arith.muli %scan3A_56, %mul3A_57 : i32
      %get3A = arith.index_cast %mul3A_58 : i32 to index
      %get3A_59 = tpu.vector_load %arg9[%get3A] {strides = array<i32>} : memref<8192xi32, #tpu.memory_space<vmem>>, vector<16xi32>,
      %gather3A = tpu.vector_load_idx %arg7[%get3A_59] : memref<100000xf32, #tpu.memory_space<vmem>>[vector<16xi32>], vector<16xf32>,
      %mul3A_60 = arith.constant 16 : i32
      %mul3A_61 = arith.muli %scan3A_56, %mul3A_60 : i32
      %add3A_62 = arith.constant 8192 : i32
      %add3A_63 = arith.addi %add3A_62, %mul3A_61 : i32
      %get3A_64 = arith.constant 0 : i32
      %get3A_65 = arith.index_cast %get3A_64 : i32 to index
      %get3A_66 = arith.index_cast %add3A_63 : i32 to index
      %get3A_67 = tpu.vector_load %arg8[%get3A_65, %get3A_66] {strides = array<i32>} : memref<1x16384xf32, #tpu.memory_space<vmem>>, vector<16xf32>,
      %mul3A_68 = arith.mulf %gather3A, %get3A_67 : vector<16xf32>
      %swap3A = arith.constant 0 : i32
      %swap3A_69 = arith.index_cast %swap3A : i32 to index
      %swap3A_70 = arith.index_cast %add3A_63 : i32 to index
      %swap3A_71 = tpu.vector_load %arg8[%swap3A_69, %swap3A_70] {strides = array<i32>} : memref<1x16384xf32, #tpu.memory_space<vmem>>, vector<16xf32>,
      tpu.vector_store %arg8[%swap3A_69, %swap3A_70], %mul3A_68 {strides = array<i32>} : memref<1x16384xf32, #tpu.memory_space<vmem>>, vector<16xf32>,
      %scan3A_72 = arith.constant 1 : i32
      %scan3A_73 = arith.addi %scan3A_56, %scan3A_72 : i32
      %mul3A_74 = arith.constant 16 : i32
      %mul3A_75 = arith.muli %scan3A_73, %mul3A_74 : i32
      %get3A_76 = arith.index_cast %mul3A_75 : i32 to index
      %get3A_77 = tpu.vector_load %arg9[%get3A_76] {strides = array<i32>} : memref<8192xi32, #tpu.memory_space<vmem>>, vector<16xi32>,
      %gather3A_78 = tpu.vector_load_idx %arg7[%get3A_77] : memref<100000xf32, #tpu.memory_space<vmem>>[vector<16xi32>], vector<16xf32>,
      %mul3A_79 = arith.constant 16 : i32
      %mul3A_80 = arith.muli %scan3A_73, %mul3A_79 : i32
      %add3A_81 = arith.constant 8192 : i32
      %add3A_82 = arith.addi %add3A_81, %mul3A_80 : i32
      %get3A_83 = arith.constant 0 : i32
      %get3A_84 = arith.index_cast %get3A_83 : i32 to index
      %get3A_85 = arith.index_cast %add3A_82 : i32 to index
      %get3A_86 = tpu.vector_load %arg8[%get3A_84, %get3A_85] {strides = array<i32>} : memref<1x16384xf32, #tpu.memory_space<vmem>>, vector<16xf32>,
      %mul3A_87 = arith.mulf %gather3A_78, %get3A_86 : vector<16xf32>
      %swap3A_88 = arith.constant 0 : i32
      %swap3A_89 = arith.index_cast %swap3A_88 : i32 to index
      %swap3A_90 = arith.index_cast %add3A_82 : i32 to index
      %swap3A_91 = tpu.vector_load %arg8[%swap3A_89, %swap3A_90] {strides = array<i32>} : memref<1x16384xf32, #tpu.memory_space<vmem>>, vector<16xf32>,
      tpu.vector_store %arg8[%swap3A_89, %swap3A_90], %mul3A_87 {strides = array<i32>} : memref<1x16384xf32, #tpu.memory_space<vmem>>, vector<16xf32>,
      %scan3A_92 = arith.constant 2 : i32
      %scan3A_93 = arith.addi %scan3A_56, %scan3A_92 : i32
      %mul3A_94 = arith.constant 16 : i32
      %mul3A_95 = arith.muli %scan3A_93, %mul3A_94 : i32
      %get3A_96 = arith.index_cast %mul3A_95 : i32 to index
      %get3A_97 = tpu.vector_load %arg9[%get3A_96] {strides = array<i32>} : memref<8192xi32, #tpu.memory_space<vmem>>, vector<16xi32>,
      %gather3A_98 = tpu.vector_load_idx %arg7[%get3A_97] : memref<100000xf32, #tpu.memory_space<vmem>>[vector<16xi32>], vector<16xf32>,
      %mul3A_99 = arith.constant 16 : i32
      %mul3A_100 = arith.muli %scan3A_93, %mul3A_99 : i32
      %add3A_101 = arith.constant 8192 : i32
      %add3A_102 = arith.addi %add3A_101, %mul3A_100 : i32
      %get3A_103 = arith.constant 0 : i32
      %get3A_104 = arith.index_cast %get3A_103 : i32 to index
      %get3A_105 = arith.index_cast %add3A_102 : i32 to index
      %get3A_106 = tpu.vector_load %arg8[%get3A_104, %get3A_105] {strides = array<i32>} : memref<1x16384xf32, #tpu.memory_space<vmem>>, vector<16xf32>,
      %mul3A_107 = arith.mulf %gather3A_98, %get3A_106 : vector<16xf32>
      %swap3A_108 = arith.constant 0 : i32
      %swap3A_109 = arith.index_cast %swap3A_108 : i32 to index
      %swap3A_110 = arith.index_cast %add3A_102 : i32 to index
      %swap3A_111 = tpu.vector_load %arg8[%swap3A_109, %swap3A_110] {strides = array<i32>} : memref<1x16384xf32, #tpu.memory_space<vmem>>, vector<16xf32>,
      tpu.vector_store %arg8[%swap3A_109, %swap3A_110], %mul3A_107 {strides = array<i32>} : memref<1x16384xf32, #tpu.memory_space<vmem>>, vector<16xf32>,
      %scan3A_112 = arith.constant 3 : i32
      %scan3A_113 = arith.addi %scan3A_56, %scan3A_112 : i32
      %mul3A_114 = arith.constant 16 : i32
      %mul3A_115 = arith.muli %scan3A_113, %mul3A_114 : i32
      %get3A_116 = arith.index_cast %mul3A_115 : i32 to index
      %get3A_117 = tpu.vector_load %arg9[%get3A_116] {strides = array<i32>} : memref<8192xi32, #tpu.memory_space<vmem>>, vector<16xi32>,
      %gather3A_118 = tpu.vector_load_idx %arg7[%get3A_117] : memref<100000xf32, #tpu.memory_space<vmem>>[vector<16xi32>], vector<16xf32>,
      %mul3A_119 = arith.constant 16 : i32
      %mul3A_120 = arith.muli %scan3A_113, %mul3A_119 : i32
      %add3A_121 = arith.constant 8192 : i32
      %add3A_122 = arith.addi %add3A_121, %mul3A_120 : i32
      %get3A_123 = arith.constant 0 : i32
      %get3A_124 = arith.index_cast %get3A_123 : i32 to index
      %get3A_125 = arith.index_cast %add3A_122 : i32 to index
      %get3A_126 = tpu.vector_load %arg8[%get3A_124, %get3A_125] {strides = array<i32>} : memref<1x16384xf32, #tpu.memory_space<vmem>>, vector<16xf32>,
      %mul3A_127 = arith.mulf %gather3A_118, %get3A_126 : vector<16xf32>
      %swap3A_128 = arith.constant 0 : i32
      %swap3A_129 = arith.index_cast %swap3A_128 : i32 to index
      %swap3A_130 = arith.index_cast %add3A_122 : i32 to index
      %swap3A_131 = tpu.vector_load %arg8[%swap3A_129, %swap3A_130] {strides = array<i32>} : memref<1x16384xf32, #tpu.memory_space<vmem>>, vector<16xf32>,
      tpu.vector_store %arg8[%swap3A_129, %swap3A_130], %mul3A_127 {strides = array<i32>} : memref<1x16384xf32, #tpu.memory_space<vmem>>, vector<16xf32>,
    }
    %scan3A_55 = arith.constant 512 : i32
    "tpu.region"() ({
      %run_scoped3A = tpu.sem_alloc : memref<!tpu.dma_semaphore, #tpu.memory_space<semaphore_mem>>
      %dma_start3A = arith.constant 0 : i32
      %dma_start3A_56 = arith.constant 8192 : i32
      %dma_start3A_57 = tpu.memref_slice %arg8[%dma_start3A, %dma_start3A_56] : memref<1x16384xf32, #tpu.memory_space<vmem>> -> memref<1x8192xf32, #tpu.memory_space<vmem>>
      %dma_start3A_58 = arith.constant 8192 : i32
      %dma_start3A_59 = tpu.memref_slice %arg6[%add3A_31, %dma_start3A_58] : memref<64x16384xf32, #tpu.memory_space<hbm>> -> memref<1x8192xf32, #tpu.memory_space<hbm>>
      %dma_start3A_60 = arith.constant 8192 : i32
      %dma_start3A_61 = tpu.memref_slice %arg6[%add3A_31, %dma_start3A_60] : memref<64x16384xf32, #tpu.memory_space<hbm>> -> memref<1x8192xf32, #tpu.memory_space<hbm>>
      %dma_start3A_62 = arith.constant 0 : i32
      %dma_start3A_63 = arith.constant 8192 : i32
      %dma_start3A_64 = tpu.memref_slice %arg8[%dma_start3A_62, %dma_start3A_63] : memref<1x16384xf32, #tpu.memory_space<vmem>> -> memref<1x8192xf32, #tpu.memory_space<vmem>>
      tpu.enqueue_dma source(%dma_start3A_64 : memref<1x8192xf32, #tpu.memory_space<vmem>>) target(%dma_start3A_61 : memref<1x8192xf32, #tpu.memory_space<hbm>>) target_semaphore(%run_scoped3A : memref<!tpu.dma_semaphore, #tpu.memory_space<semaphore_mem>>)
      %dma_wait3A = arith.constant 0 : i32
      %dma_wait3A_65 = arith.constant 8192 : i32
      %dma_wait3A_66 = tpu.memref_slice %arg8[%dma_wait3A, %dma_wait3A_65] : memref<1x16384xf32, #tpu.memory_space<vmem>> -> memref<1x8192xf32, #tpu.memory_space<vmem>>
      %dma_wait3A_67 = arith.constant 8192 : i32
      %dma_wait3A_68 = tpu.memref_slice %arg6[%add3A_31, %dma_wait3A_67] : memref<64x16384xf32, #tpu.memory_space<hbm>> -> memref<1x8192xf32, #tpu.memory_space<hbm>>
      %dma_wait3A_69 = arith.constant 8192 : i32
      %dma_wait3A_70 = tpu.memref_slice %arg6[%add3A_31, %dma_wait3A_69] : memref<64x16384xf32, #tpu.memory_space<hbm>> -> memref<1x8192xf32, #tpu.memory_space<hbm>>
      %dma_wait3A_71 = arith.constant 0 : i32
      %dma_wait3A_72 = arith.constant 8192 : i32
      %dma_wait3A_73 = tpu.memref_slice %arg8[%dma_wait3A_71, %dma_wait3A_72] : memref<1x16384xf32, #tpu.memory_space<vmem>> -> memref<1x8192xf32, #tpu.memory_space<vmem>>
      tpu.wait_dma2 semaphore(%run_scoped3A : memref<!tpu.dma_semaphore, #tpu.memory_space<semaphore_mem>>) src(%dma_wait3A_73 : memref<1x8192xf32, #tpu.memory_space<vmem>>) dst(%dma_wait3A_70 : memref<1x8192xf32, #tpu.memory_space<hbm>>)
      tpu.yield
    }) : () -> ()
    return
  }
}

#map = affine_map<(d0, d1) -> (0, 0)>
#map1 = affine_map<(d0, d1) -> (0)>
module attributes {stable_mosaic.version = 14 : i64} {
  func.func @_combine_body(%arg0: i32, %arg1: i32, %arg2: memref<64x16384xf32, #tpu.memory_space<hbm>>, %arg3: memref<16xf32, #tpu.memory_space<hbm>>, %arg4: memref<16384xf32, #tpu.memory_space<hbm>>, %arg5: memref<64x512xf32, #tpu.memory_space<vmem>>, %arg6: memref<16xf32, #tpu.memory_space<vmem>>, %arg7: memref<512xf32, #tpu.memory_space<vmem>>) attributes {dimension_semantics = [#tpu.dimension_semantics<core_parallel>, #tpu.dimension_semantics<subcore_parallel>], iteration_bounds = array<i64: 2, 16>, scalar_prefetch = 0 : i64, scratch_operands = 3 : i64, tpu.core_type = #tpu.core_type<sc_vector_subcore>, window_params = [{transform_indices = #map}, {transform_indices = #map1}, {transform_indices = #map1}]} {
    %mul3A = arith.constant 2 : i32
    %mul3A_0 = arith.muli %arg1, %mul3A : i32
    %add3A = arith.addi %mul3A_0, %arg0 : i32
    %mul3A_1 = arith.constant 512 : i32
    %mul3A_2 = arith.muli %add3A, %mul3A_1 : i32
    "tpu.region"() ({
      %run_scoped3A = tpu.sem_alloc : memref<!tpu.dma_semaphore, #tpu.memory_space<semaphore_mem>>
      %dma_start3A = arith.constant 0 : i32
      %dma_start3A_10 = tpu.memref_slice %arg2[%dma_start3A, %mul3A_2] : memref<64x16384xf32, #tpu.memory_space<hbm>> -> memref<64x512xf32, #tpu.memory_space<hbm>>
      %dma_start3A_11 = arith.constant 0 : i32
      %dma_start3A_12 = tpu.memref_slice %arg2[%dma_start3A_11, %mul3A_2] : memref<64x16384xf32, #tpu.memory_space<hbm>> -> memref<64x512xf32, #tpu.memory_space<hbm>>
      tpu.enqueue_dma source(%dma_start3A_12 : memref<64x512xf32, #tpu.memory_space<hbm>>) target(%arg5 : memref<64x512xf32, #tpu.memory_space<vmem>>) target_semaphore(%run_scoped3A : memref<!tpu.dma_semaphore, #tpu.memory_space<semaphore_mem>>)
      %dma_wait3A = arith.constant 0 : i32
      %dma_wait3A_13 = tpu.memref_slice %arg2[%dma_wait3A, %mul3A_2] : memref<64x16384xf32, #tpu.memory_space<hbm>> -> memref<64x512xf32, #tpu.memory_space<hbm>>
      %dma_wait3A_14 = arith.constant 0 : i32
      %dma_wait3A_15 = tpu.memref_slice %arg2[%dma_wait3A_14, %mul3A_2] : memref<64x16384xf32, #tpu.memory_space<hbm>> -> memref<64x512xf32, #tpu.memory_space<hbm>>
      tpu.wait_dma2 semaphore(%run_scoped3A : memref<!tpu.dma_semaphore, #tpu.memory_space<semaphore_mem>>) src(%dma_wait3A_15 : memref<64x512xf32, #tpu.memory_space<hbm>>) dst(%arg5 : memref<64x512xf32, #tpu.memory_space<vmem>>)
      tpu.yield
    }) : () -> ()
    "tpu.region"() ({
      %run_scoped3A = tpu.sem_alloc : memref<!tpu.dma_semaphore, #tpu.memory_space<semaphore_mem>>
      tpu.enqueue_dma source(%arg3 : memref<16xf32, #tpu.memory_space<hbm>>) target(%arg6 : memref<16xf32, #tpu.memory_space<vmem>>) target_semaphore(%run_scoped3A : memref<!tpu.dma_semaphore, #tpu.memory_space<semaphore_mem>>)
      tpu.wait_dma2 semaphore(%run_scoped3A : memref<!tpu.dma_semaphore, #tpu.memory_space<semaphore_mem>>) src(%arg3 : memref<16xf32, #tpu.memory_space<hbm>>) dst(%arg6 : memref<16xf32, #tpu.memory_space<vmem>>)
      tpu.yield
    }) : () -> ()
    %get3A = arith.constant 0 : index
    %get3A_3 = tpu.vector_load %arg6[%get3A] {strides = array<i32>} : memref<16xf32, #tpu.memory_space<vmem>>, vector<16xf32>,
    %get3A_4 = vector.shape_cast %get3A_3 : vector<16xf32> to vector<16xf32>
    %scan3A = arith.constant 0 : i32
    %scan3A_5 = arith.constant 0 : i32
    %scan3A_6 = arith.constant 32 : i32
    %scan3A_7 = arith.addi %scan3A_5, %scan3A_6 : i32
    %scan3A_8 = arith.constant 1 : i32
    scf.for %scan3A_10 = %scan3A_5 to %scan3A_7 step %scan3A_8  : i32 {
      %broadcast_in_dim3A = arith.constant 0.000000e+00 : f32
      %broadcast_in_dim3A_11 = vector.broadcast %broadcast_in_dim3A : f32 to vector<16xf32>
      %mul3A_12 = arith.constant 16 : i32
      %mul3A_13 = arith.muli %scan3A_10, %mul3A_12 : i32
      %get3A_14 = arith.constant 0 : i32
      %get3A_15 = arith.index_cast %get3A_14 : i32 to index
      %get3A_16 = arith.index_cast %mul3A_13 : i32 to index
      %get3A_17 = tpu.vector_load %arg5[%get3A_15, %get3A_16] {strides = array<i32>} : memref<64x512xf32, #tpu.memory_space<vmem>>, vector<1x16xf32>,
      %get3A_18 = vector.shape_cast %get3A_17 : vector<1x16xf32> to vector<16xf32>
      %add3A_19 = arith.addf %broadcast_in_dim3A_11, %get3A_18 : vector<16xf32>
      %mul3A_20 = arith.constant 16 : i32
      %mul3A_21 = arith.muli %scan3A_10, %mul3A_20 : i32
      %get3A_22 = arith.constant 1 : i32
      %get3A_23 = arith.index_cast %get3A_22 : i32 to index
      %get3A_24 = arith.index_cast %mul3A_21 : i32 to index
      %get3A_25 = tpu.vector_load %arg5[%get3A_23, %get3A_24] {strides = array<i32>} : memref<64x512xf32, #tpu.memory_space<vmem>>, vector<1x16xf32>,
      %get3A_26 = vector.shape_cast %get3A_25 : vector<1x16xf32> to vector<16xf32>
      %add3A_27 = arith.addf %add3A_19, %get3A_26 : vector<16xf32>
      %mul3A_28 = arith.constant 16 : i32
      %mul3A_29 = arith.muli %scan3A_10, %mul3A_28 : i32
      %get3A_30 = arith.constant 2 : i32
      %get3A_31 = arith.index_cast %get3A_30 : i32 to index
      %get3A_32 = arith.index_cast %mul3A_29 : i32 to index
      %get3A_33 = tpu.vector_load %arg5[%get3A_31, %get3A_32] {strides = array<i32>} : memref<64x512xf32, #tpu.memory_space<vmem>>, vector<1x16xf32>,
      %get3A_34 = vector.shape_cast %get3A_33 : vector<1x16xf32> to vector<16xf32>
      %add3A_35 = arith.addf %add3A_27, %get3A_34 : vector<16xf32>
      %mul3A_36 = arith.constant 16 : i32
      %mul3A_37 = arith.muli %scan3A_10, %mul3A_36 : i32
      %get3A_38 = arith.constant 3 : i32
      %get3A_39 = arith.index_cast %get3A_38 : i32 to index
      %get3A_40 = arith.index_cast %mul3A_37 : i32 to index
      %get3A_41 = tpu.vector_load %arg5[%get3A_39, %get3A_40] {strides = array<i32>} : memref<64x512xf32, #tpu.memory_space<vmem>>, vector<1x16xf32>,
      %get3A_42 = vector.shape_cast %get3A_41 : vector<1x16xf32> to vector<16xf32>
      %add3A_43 = arith.addf %add3A_35, %get3A_42 : vector<16xf32>
      %mul3A_44 = arith.constant 16 : i32
      %mul3A_45 = arith.muli %scan3A_10, %mul3A_44 : i32
      %get3A_46 = arith.constant 4 : i32
      %get3A_47 = arith.index_cast %get3A_46 : i32 to index
      %get3A_48 = arith.index_cast %mul3A_45 : i32 to index
      %get3A_49 = tpu.vector_load %arg5[%get3A_47, %get3A_48] {strides = array<i32>} : memref<64x512xf32, #tpu.memory_space<vmem>>, vector<1x16xf32>,
      %get3A_50 = vector.shape_cast %get3A_49 : vector<1x16xf32> to vector<16xf32>
      %add3A_51 = arith.addf %add3A_43, %get3A_50 : vector<16xf32>
      %mul3A_52 = arith.constant 16 : i32
      %mul3A_53 = arith.muli %scan3A_10, %mul3A_52 : i32
      %get3A_54 = arith.constant 5 : i32
      %get3A_55 = arith.index_cast %get3A_54 : i32 to index
      %get3A_56 = arith.index_cast %mul3A_53 : i32 to index
      %get3A_57 = tpu.vector_load %arg5[%get3A_55, %get3A_56] {strides = array<i32>} : memref<64x512xf32, #tpu.memory_space<vmem>>, vector<1x16xf32>,
      %get3A_58 = vector.shape_cast %get3A_57 : vector<1x16xf32> to vector<16xf32>
      %add3A_59 = arith.addf %add3A_51, %get3A_58 : vector<16xf32>
      %mul3A_60 = arith.constant 16 : i32
      %mul3A_61 = arith.muli %scan3A_10, %mul3A_60 : i32
      %get3A_62 = arith.constant 6 : i32
      %get3A_63 = arith.index_cast %get3A_62 : i32 to index
      %get3A_64 = arith.index_cast %mul3A_61 : i32 to index
      %get3A_65 = tpu.vector_load %arg5[%get3A_63, %get3A_64] {strides = array<i32>} : memref<64x512xf32, #tpu.memory_space<vmem>>, vector<1x16xf32>,
      %get3A_66 = vector.shape_cast %get3A_65 : vector<1x16xf32> to vector<16xf32>
      %add3A_67 = arith.addf %add3A_59, %get3A_66 : vector<16xf32>
      %mul3A_68 = arith.constant 16 : i32
      %mul3A_69 = arith.muli %scan3A_10, %mul3A_68 : i32
      %get3A_70 = arith.constant 7 : i32
      %get3A_71 = arith.index_cast %get3A_70 : i32 to index
      %get3A_72 = arith.index_cast %mul3A_69 : i32 to index
      %get3A_73 = tpu.vector_load %arg5[%get3A_71, %get3A_72] {strides = array<i32>} : memref<64x512xf32, #tpu.memory_space<vmem>>, vector<1x16xf32>,
      %get3A_74 = vector.shape_cast %get3A_73 : vector<1x16xf32> to vector<16xf32>
      %add3A_75 = arith.addf %add3A_67, %get3A_74 : vector<16xf32>
      %mul3A_76 = arith.constant 16 : i32
      %mul3A_77 = arith.muli %scan3A_10, %mul3A_76 : i32
      %get3A_78 = arith.constant 8 : i32
      %get3A_79 = arith.index_cast %get3A_78 : i32 to index
      %get3A_80 = arith.index_cast %mul3A_77 : i32 to index
      %get3A_81 = tpu.vector_load %arg5[%get3A_79, %get3A_80] {strides = array<i32>} : memref<64x512xf32, #tpu.memory_space<vmem>>, vector<1x16xf32>,
      %get3A_82 = vector.shape_cast %get3A_81 : vector<1x16xf32> to vector<16xf32>
      %add3A_83 = arith.addf %add3A_75, %get3A_82 : vector<16xf32>
      %mul3A_84 = arith.constant 16 : i32
      %mul3A_85 = arith.muli %scan3A_10, %mul3A_84 : i32
      %get3A_86 = arith.constant 9 : i32
      %get3A_87 = arith.index_cast %get3A_86 : i32 to index
      %get3A_88 = arith.index_cast %mul3A_85 : i32 to index
      %get3A_89 = tpu.vector_load %arg5[%get3A_87, %get3A_88] {strides = array<i32>} : memref<64x512xf32, #tpu.memory_space<vmem>>, vector<1x16xf32>,
      %get3A_90 = vector.shape_cast %get3A_89 : vector<1x16xf32> to vector<16xf32>
      %add3A_91 = arith.addf %add3A_83, %get3A_90 : vector<16xf32>
      %mul3A_92 = arith.constant 16 : i32
      %mul3A_93 = arith.muli %scan3A_10, %mul3A_92 : i32
      %get3A_94 = arith.constant 10 : i32
      %get3A_95 = arith.index_cast %get3A_94 : i32 to index
      %get3A_96 = arith.index_cast %mul3A_93 : i32 to index
      %get3A_97 = tpu.vector_load %arg5[%get3A_95, %get3A_96] {strides = array<i32>} : memref<64x512xf32, #tpu.memory_space<vmem>>, vector<1x16xf32>,
      %get3A_98 = vector.shape_cast %get3A_97 : vector<1x16xf32> to vector<16xf32>
      %add3A_99 = arith.addf %add3A_91, %get3A_98 : vector<16xf32>
      %mul3A_100 = arith.constant 16 : i32
      %mul3A_101 = arith.muli %scan3A_10, %mul3A_100 : i32
      %get3A_102 = arith.constant 11 : i32
      %get3A_103 = arith.index_cast %get3A_102 : i32 to index
      %get3A_104 = arith.index_cast %mul3A_101 : i32 to index
      %get3A_105 = tpu.vector_load %arg5[%get3A_103, %get3A_104] {strides = array<i32>} : memref<64x512xf32, #tpu.memory_space<vmem>>, vector<1x16xf32>,
      %get3A_106 = vector.shape_cast %get3A_105 : vector<1x16xf32> to vector<16xf32>
      %add3A_107 = arith.addf %add3A_99, %get3A_106 : vector<16xf32>
      %mul3A_108 = arith.constant 16 : i32
      %mul3A_109 = arith.muli %scan3A_10, %mul3A_108 : i32
      %get3A_110 = arith.constant 12 : i32
      %get3A_111 = arith.index_cast %get3A_110 : i32 to index
      %get3A_112 = arith.index_cast %mul3A_109 : i32 to index
      %get3A_113 = tpu.vector_load %arg5[%get3A_111, %get3A_112] {strides = array<i32>} : memref<64x512xf32, #tpu.memory_space<vmem>>, vector<1x16xf32>,
      %get3A_114 = vector.shape_cast %get3A_113 : vector<1x16xf32> to vector<16xf32>
      %add3A_115 = arith.addf %add3A_107, %get3A_114 : vector<16xf32>
      %mul3A_116 = arith.constant 16 : i32
      %mul3A_117 = arith.muli %scan3A_10, %mul3A_116 : i32
      %get3A_118 = arith.constant 13 : i32
      %get3A_119 = arith.index_cast %get3A_118 : i32 to index
      %get3A_120 = arith.index_cast %mul3A_117 : i32 to index
      %get3A_121 = tpu.vector_load %arg5[%get3A_119, %get3A_120] {strides = array<i32>} : memref<64x512xf32, #tpu.memory_space<vmem>>, vector<1x16xf32>,
      %get3A_122 = vector.shape_cast %get3A_121 : vector<1x16xf32> to vector<16xf32>
      %add3A_123 = arith.addf %add3A_115, %get3A_122 : vector<16xf32>
      %mul3A_124 = arith.constant 16 : i32
      %mul3A_125 = arith.muli %scan3A_10, %mul3A_124 : i32
      %get3A_126 = arith.constant 14 : i32
      %get3A_127 = arith.index_cast %get3A_126 : i32 to index
      %get3A_128 = arith.index_cast %mul3A_125 : i32 to index
      %get3A_129 = tpu.vector_load %arg5[%get3A_127, %get3A_128] {strides = array<i32>} : memref<64x512xf32, #tpu.memory_space<vmem>>, vector<1x16xf32>,
      %get3A_130 = vector.shape_cast %get3A_129 : vector<1x16xf32> to vector<16xf32>
      %add3A_131 = arith.addf %add3A_123, %get3A_130 : vector<16xf32>
      %mul3A_132 = arith.constant 16 : i32
      %mul3A_133 = arith.muli %scan3A_10, %mul3A_132 : i32
      %get3A_134 = arith.constant 15 : i32
      %get3A_135 = arith.index_cast %get3A_134 : i32 to index
      %get3A_136 = arith.index_cast %mul3A_133 : i32 to index
      %get3A_137 = tpu.vector_load %arg5[%get3A_135, %get3A_136] {strides = array<i32>} : memref<64x512xf32, #tpu.memory_space<vmem>>, vector<1x16xf32>,
      %get3A_138 = vector.shape_cast %get3A_137 : vector<1x16xf32> to vector<16xf32>
      %add3A_139 = arith.addf %add3A_131, %get3A_138 : vector<16xf32>
      %mul3A_140 = arith.constant 16 : i32
      %mul3A_141 = arith.muli %scan3A_10, %mul3A_140 : i32
      %get3A_142 = arith.constant 16 : i32
      %get3A_143 = arith.index_cast %get3A_142 : i32 to index
      %get3A_144 = arith.index_cast %mul3A_141 : i32 to index
      %get3A_145 = tpu.vector_load %arg5[%get3A_143, %get3A_144] {strides = array<i32>} : memref<64x512xf32, #tpu.memory_space<vmem>>, vector<1x16xf32>,
      %get3A_146 = vector.shape_cast %get3A_145 : vector<1x16xf32> to vector<16xf32>
      %add3A_147 = arith.addf %add3A_139, %get3A_146 : vector<16xf32>
      %mul3A_148 = arith.constant 16 : i32
      %mul3A_149 = arith.muli %scan3A_10, %mul3A_148 : i32
      %get3A_150 = arith.constant 17 : i32
      %get3A_151 = arith.index_cast %get3A_150 : i32 to index
      %get3A_152 = arith.index_cast %mul3A_149 : i32 to index
      %get3A_153 = tpu.vector_load %arg5[%get3A_151, %get3A_152] {strides = array<i32>} : memref<64x512xf32, #tpu.memory_space<vmem>>, vector<1x16xf32>,
      %get3A_154 = vector.shape_cast %get3A_153 : vector<1x16xf32> to vector<16xf32>
      %add3A_155 = arith.addf %add3A_147, %get3A_154 : vector<16xf32>
      %mul3A_156 = arith.constant 16 : i32
      %mul3A_157 = arith.muli %scan3A_10, %mul3A_156 : i32
      %get3A_158 = arith.constant 18 : i32
      %get3A_159 = arith.index_cast %get3A_158 : i32 to index
      %get3A_160 = arith.index_cast %mul3A_157 : i32 to index
      %get3A_161 = tpu.vector_load %arg5[%get3A_159, %get3A_160] {strides = array<i32>} : memref<64x512xf32, #tpu.memory_space<vmem>>, vector<1x16xf32>,
      %get3A_162 = vector.shape_cast %get3A_161 : vector<1x16xf32> to vector<16xf32>
      %add3A_163 = arith.addf %add3A_155, %get3A_162 : vector<16xf32>
      %mul3A_164 = arith.constant 16 : i32
      %mul3A_165 = arith.muli %scan3A_10, %mul3A_164 : i32
      %get3A_166 = arith.constant 19 : i32
      %get3A_167 = arith.index_cast %get3A_166 : i32 to index
      %get3A_168 = arith.index_cast %mul3A_165 : i32 to index
      %get3A_169 = tpu.vector_load %arg5[%get3A_167, %get3A_168] {strides = array<i32>} : memref<64x512xf32, #tpu.memory_space<vmem>>, vector<1x16xf32>,
      %get3A_170 = vector.shape_cast %get3A_169 : vector<1x16xf32> to vector<16xf32>
      %add3A_171 = arith.addf %add3A_163, %get3A_170 : vector<16xf32>
      %mul3A_172 = arith.constant 16 : i32
      %mul3A_173 = arith.muli %scan3A_10, %mul3A_172 : i32
      %get3A_174 = arith.constant 20 : i32
      %get3A_175 = arith.index_cast %get3A_174 : i32 to index
      %get3A_176 = arith.index_cast %mul3A_173 : i32 to index
      %get3A_177 = tpu.vector_load %arg5[%get3A_175, %get3A_176] {strides = array<i32>} : memref<64x512xf32, #tpu.memory_space<vmem>>, vector<1x16xf32>,
      %get3A_178 = vector.shape_cast %get3A_177 : vector<1x16xf32> to vector<16xf32>
      %add3A_179 = arith.addf %add3A_171, %get3A_178 : vector<16xf32>
      %mul3A_180 = arith.constant 16 : i32
      %mul3A_181 = arith.muli %scan3A_10, %mul3A_180 : i32
      %get3A_182 = arith.constant 21 : i32
      %get3A_183 = arith.index_cast %get3A_182 : i32 to index
      %get3A_184 = arith.index_cast %mul3A_181 : i32 to index
      %get3A_185 = tpu.vector_load %arg5[%get3A_183, %get3A_184] {strides = array<i32>} : memref<64x512xf32, #tpu.memory_space<vmem>>, vector<1x16xf32>,
      %get3A_186 = vector.shape_cast %get3A_185 : vector<1x16xf32> to vector<16xf32>
      %add3A_187 = arith.addf %add3A_179, %get3A_186 : vector<16xf32>
      %mul3A_188 = arith.constant 16 : i32
      %mul3A_189 = arith.muli %scan3A_10, %mul3A_188 : i32
      %get3A_190 = arith.constant 22 : i32
      %get3A_191 = arith.index_cast %get3A_190 : i32 to index
      %get3A_192 = arith.index_cast %mul3A_189 : i32 to index
      %get3A_193 = tpu.vector_load %arg5[%get3A_191, %get3A_192] {strides = array<i32>} : memref<64x512xf32, #tpu.memory_space<vmem>>, vector<1x16xf32>,
      %get3A_194 = vector.shape_cast %get3A_193 : vector<1x16xf32> to vector<16xf32>
      %add3A_195 = arith.addf %add3A_187, %get3A_194 : vector<16xf32>
      %mul3A_196 = arith.constant 16 : i32
      %mul3A_197 = arith.muli %scan3A_10, %mul3A_196 : i32
      %get3A_198 = arith.constant 23 : i32
      %get3A_199 = arith.index_cast %get3A_198 : i32 to index
      %get3A_200 = arith.index_cast %mul3A_197 : i32 to index
      %get3A_201 = tpu.vector_load %arg5[%get3A_199, %get3A_200] {strides = array<i32>} : memref<64x512xf32, #tpu.memory_space<vmem>>, vector<1x16xf32>,
      %get3A_202 = vector.shape_cast %get3A_201 : vector<1x16xf32> to vector<16xf32>
      %add3A_203 = arith.addf %add3A_195, %get3A_202 : vector<16xf32>
      %mul3A_204 = arith.constant 16 : i32
      %mul3A_205 = arith.muli %scan3A_10, %mul3A_204 : i32
      %get3A_206 = arith.constant 24 : i32
      %get3A_207 = arith.index_cast %get3A_206 : i32 to index
      %get3A_208 = arith.index_cast %mul3A_205 : i32 to index
      %get3A_209 = tpu.vector_load %arg5[%get3A_207, %get3A_208] {strides = array<i32>} : memref<64x512xf32, #tpu.memory_space<vmem>>, vector<1x16xf32>,
      %get3A_210 = vector.shape_cast %get3A_209 : vector<1x16xf32> to vector<16xf32>
      %add3A_211 = arith.addf %add3A_203, %get3A_210 : vector<16xf32>
      %mul3A_212 = arith.constant 16 : i32
      %mul3A_213 = arith.muli %scan3A_10, %mul3A_212 : i32
      %get3A_214 = arith.constant 25 : i32
      %get3A_215 = arith.index_cast %get3A_214 : i32 to index
      %get3A_216 = arith.index_cast %mul3A_213 : i32 to index
      %get3A_217 = tpu.vector_load %arg5[%get3A_215, %get3A_216] {strides = array<i32>} : memref<64x512xf32, #tpu.memory_space<vmem>>, vector<1x16xf32>,
      %get3A_218 = vector.shape_cast %get3A_217 : vector<1x16xf32> to vector<16xf32>
      %add3A_219 = arith.addf %add3A_211, %get3A_218 : vector<16xf32>
      %mul3A_220 = arith.constant 16 : i32
      %mul3A_221 = arith.muli %scan3A_10, %mul3A_220 : i32
      %get3A_222 = arith.constant 26 : i32
      %get3A_223 = arith.index_cast %get3A_222 : i32 to index
      %get3A_224 = arith.index_cast %mul3A_221 : i32 to index
      %get3A_225 = tpu.vector_load %arg5[%get3A_223, %get3A_224] {strides = array<i32>} : memref<64x512xf32, #tpu.memory_space<vmem>>, vector<1x16xf32>,
      %get3A_226 = vector.shape_cast %get3A_225 : vector<1x16xf32> to vector<16xf32>
      %add3A_227 = arith.addf %add3A_219, %get3A_226 : vector<16xf32>
      %mul3A_228 = arith.constant 16 : i32
      %mul3A_229 = arith.muli %scan3A_10, %mul3A_228 : i32
      %get3A_230 = arith.constant 27 : i32
      %get3A_231 = arith.index_cast %get3A_230 : i32 to index
      %get3A_232 = arith.index_cast %mul3A_229 : i32 to index
      %get3A_233 = tpu.vector_load %arg5[%get3A_231, %get3A_232] {strides = array<i32>} : memref<64x512xf32, #tpu.memory_space<vmem>>, vector<1x16xf32>,
      %get3A_234 = vector.shape_cast %get3A_233 : vector<1x16xf32> to vector<16xf32>
      %add3A_235 = arith.addf %add3A_227, %get3A_234 : vector<16xf32>
      %mul3A_236 = arith.constant 16 : i32
      %mul3A_237 = arith.muli %scan3A_10, %mul3A_236 : i32
      %get3A_238 = arith.constant 28 : i32
      %get3A_239 = arith.index_cast %get3A_238 : i32 to index
      %get3A_240 = arith.index_cast %mul3A_237 : i32 to index
      %get3A_241 = tpu.vector_load %arg5[%get3A_239, %get3A_240] {strides = array<i32>} : memref<64x512xf32, #tpu.memory_space<vmem>>, vector<1x16xf32>,
      %get3A_242 = vector.shape_cast %get3A_241 : vector<1x16xf32> to vector<16xf32>
      %add3A_243 = arith.addf %add3A_235, %get3A_242 : vector<16xf32>
      %mul3A_244 = arith.constant 16 : i32
      %mul3A_245 = arith.muli %scan3A_10, %mul3A_244 : i32
      %get3A_246 = arith.constant 29 : i32
      %get3A_247 = arith.index_cast %get3A_246 : i32 to index
      %get3A_248 = arith.index_cast %mul3A_245 : i32 to index
      %get3A_249 = tpu.vector_load %arg5[%get3A_247, %get3A_248] {strides = array<i32>} : memref<64x512xf32, #tpu.memory_space<vmem>>, vector<1x16xf32>,
      %get3A_250 = vector.shape_cast %get3A_249 : vector<1x16xf32> to vector<16xf32>
      %add3A_251 = arith.addf %add3A_243, %get3A_250 : vector<16xf32>
      %mul3A_252 = arith.constant 16 : i32
      %mul3A_253 = arith.muli %scan3A_10, %mul3A_252 : i32
      %get3A_254 = arith.constant 30 : i32
      %get3A_255 = arith.index_cast %get3A_254 : i32 to index
      %get3A_256 = arith.index_cast %mul3A_253 : i32 to index
      %get3A_257 = tpu.vector_load %arg5[%get3A_255, %get3A_256] {strides = array<i32>} : memref<64x512xf32, #tpu.memory_space<vmem>>, vector<1x16xf32>,
      %get3A_258 = vector.shape_cast %get3A_257 : vector<1x16xf32> to vector<16xf32>
      %add3A_259 = arith.addf %add3A_251, %get3A_258 : vector<16xf32>
      %mul3A_260 = arith.constant 16 : i32
      %mul3A_261 = arith.muli %scan3A_10, %mul3A_260 : i32
      %get3A_262 = arith.constant 31 : i32
      %get3A_263 = arith.index_cast %get3A_262 : i32 to index
      %get3A_264 = arith.index_cast %mul3A_261 : i32 to index
      %get3A_265 = tpu.vector_load %arg5[%get3A_263, %get3A_264] {strides = array<i32>} : memref<64x512xf32, #tpu.memory_space<vmem>>, vector<1x16xf32>,
      %get3A_266 = vector.shape_cast %get3A_265 : vector<1x16xf32> to vector<16xf32>
      %add3A_267 = arith.addf %add3A_259, %get3A_266 : vector<16xf32>
      %mul3A_268 = arith.constant 16 : i32
      %mul3A_269 = arith.muli %scan3A_10, %mul3A_268 : i32
      %get3A_270 = arith.constant 32 : i32
      %get3A_271 = arith.index_cast %get3A_270 : i32 to index
      %get3A_272 = arith.index_cast %mul3A_269 : i32 to index
      %get3A_273 = tpu.vector_load %arg5[%get3A_271, %get3A_272] {strides = array<i32>} : memref<64x512xf32, #tpu.memory_space<vmem>>, vector<1x16xf32>,
      %get3A_274 = vector.shape_cast %get3A_273 : vector<1x16xf32> to vector<16xf32>
      %add3A_275 = arith.addf %add3A_267, %get3A_274 : vector<16xf32>
      %mul3A_276 = arith.constant 16 : i32
      %mul3A_277 = arith.muli %scan3A_10, %mul3A_276 : i32
      %get3A_278 = arith.constant 33 : i32
      %get3A_279 = arith.index_cast %get3A_278 : i32 to index
      %get3A_280 = arith.index_cast %mul3A_277 : i32 to index
      %get3A_281 = tpu.vector_load %arg5[%get3A_279, %get3A_280] {strides = array<i32>} : memref<64x512xf32, #tpu.memory_space<vmem>>, vector<1x16xf32>,
      %get3A_282 = vector.shape_cast %get3A_281 : vector<1x16xf32> to vector<16xf32>
      %add3A_283 = arith.addf %add3A_275, %get3A_282 : vector<16xf32>
      %mul3A_284 = arith.constant 16 : i32
      %mul3A_285 = arith.muli %scan3A_10, %mul3A_284 : i32
      %get3A_286 = arith.constant 34 : i32
      %get3A_287 = arith.index_cast %get3A_286 : i32 to index
      %get3A_288 = arith.index_cast %mul3A_285 : i32 to index
      %get3A_289 = tpu.vector_load %arg5[%get3A_287, %get3A_288] {strides = array<i32>} : memref<64x512xf32, #tpu.memory_space<vmem>>, vector<1x16xf32>,
      %get3A_290 = vector.shape_cast %get3A_289 : vector<1x16xf32> to vector<16xf32>
      %add3A_291 = arith.addf %add3A_283, %get3A_290 : vector<16xf32>
      %mul3A_292 = arith.constant 16 : i32
      %mul3A_293 = arith.muli %scan3A_10, %mul3A_292 : i32
      %get3A_294 = arith.constant 35 : i32
      %get3A_295 = arith.index_cast %get3A_294 : i32 to index
      %get3A_296 = arith.index_cast %mul3A_293 : i32 to index
      %get3A_297 = tpu.vector_load %arg5[%get3A_295, %get3A_296] {strides = array<i32>} : memref<64x512xf32, #tpu.memory_space<vmem>>, vector<1x16xf32>,
      %get3A_298 = vector.shape_cast %get3A_297 : vector<1x16xf32> to vector<16xf32>
      %add3A_299 = arith.addf %add3A_291, %get3A_298 : vector<16xf32>
      %mul3A_300 = arith.constant 16 : i32
      %mul3A_301 = arith.muli %scan3A_10, %mul3A_300 : i32
      %get3A_302 = arith.constant 36 : i32
      %get3A_303 = arith.index_cast %get3A_302 : i32 to index
      %get3A_304 = arith.index_cast %mul3A_301 : i32 to index
      %get3A_305 = tpu.vector_load %arg5[%get3A_303, %get3A_304] {strides = array<i32>} : memref<64x512xf32, #tpu.memory_space<vmem>>, vector<1x16xf32>,
      %get3A_306 = vector.shape_cast %get3A_305 : vector<1x16xf32> to vector<16xf32>
      %add3A_307 = arith.addf %add3A_299, %get3A_306 : vector<16xf32>
      %mul3A_308 = arith.constant 16 : i32
      %mul3A_309 = arith.muli %scan3A_10, %mul3A_308 : i32
      %get3A_310 = arith.constant 37 : i32
      %get3A_311 = arith.index_cast %get3A_310 : i32 to index
      %get3A_312 = arith.index_cast %mul3A_309 : i32 to index
      %get3A_313 = tpu.vector_load %arg5[%get3A_311, %get3A_312] {strides = array<i32>} : memref<64x512xf32, #tpu.memory_space<vmem>>, vector<1x16xf32>,
      %get3A_314 = vector.shape_cast %get3A_313 : vector<1x16xf32> to vector<16xf32>
      %add3A_315 = arith.addf %add3A_307, %get3A_314 : vector<16xf32>
      %mul3A_316 = arith.constant 16 : i32
      %mul3A_317 = arith.muli %scan3A_10, %mul3A_316 : i32
      %get3A_318 = arith.constant 38 : i32
      %get3A_319 = arith.index_cast %get3A_318 : i32 to index
      %get3A_320 = arith.index_cast %mul3A_317 : i32 to index
      %get3A_321 = tpu.vector_load %arg5[%get3A_319, %get3A_320] {strides = array<i32>} : memref<64x512xf32, #tpu.memory_space<vmem>>, vector<1x16xf32>,
      %get3A_322 = vector.shape_cast %get3A_321 : vector<1x16xf32> to vector<16xf32>
      %add3A_323 = arith.addf %add3A_315, %get3A_322 : vector<16xf32>
      %mul3A_324 = arith.constant 16 : i32
      %mul3A_325 = arith.muli %scan3A_10, %mul3A_324 : i32
      %get3A_326 = arith.constant 39 : i32
      %get3A_327 = arith.index_cast %get3A_326 : i32 to index
      %get3A_328 = arith.index_cast %mul3A_325 : i32 to index
      %get3A_329 = tpu.vector_load %arg5[%get3A_327, %get3A_328] {strides = array<i32>} : memref<64x512xf32, #tpu.memory_space<vmem>>, vector<1x16xf32>,
      %get3A_330 = vector.shape_cast %get3A_329 : vector<1x16xf32> to vector<16xf32>
      %add3A_331 = arith.addf %add3A_323, %get3A_330 : vector<16xf32>
      %mul3A_332 = arith.constant 16 : i32
      %mul3A_333 = arith.muli %scan3A_10, %mul3A_332 : i32
      %get3A_334 = arith.constant 40 : i32
      %get3A_335 = arith.index_cast %get3A_334 : i32 to index
      %get3A_336 = arith.index_cast %mul3A_333 : i32 to index
      %get3A_337 = tpu.vector_load %arg5[%get3A_335, %get3A_336] {strides = array<i32>} : memref<64x512xf32, #tpu.memory_space<vmem>>, vector<1x16xf32>,
      %get3A_338 = vector.shape_cast %get3A_337 : vector<1x16xf32> to vector<16xf32>
      %add3A_339 = arith.addf %add3A_331, %get3A_338 : vector<16xf32>
      %mul3A_340 = arith.constant 16 : i32
      %mul3A_341 = arith.muli %scan3A_10, %mul3A_340 : i32
      %get3A_342 = arith.constant 41 : i32
      %get3A_343 = arith.index_cast %get3A_342 : i32 to index
      %get3A_344 = arith.index_cast %mul3A_341 : i32 to index
      %get3A_345 = tpu.vector_load %arg5[%get3A_343, %get3A_344] {strides = array<i32>} : memref<64x512xf32, #tpu.memory_space<vmem>>, vector<1x16xf32>,
      %get3A_346 = vector.shape_cast %get3A_345 : vector<1x16xf32> to vector<16xf32>
      %add3A_347 = arith.addf %add3A_339, %get3A_346 : vector<16xf32>
      %mul3A_348 = arith.constant 16 : i32
      %mul3A_349 = arith.muli %scan3A_10, %mul3A_348 : i32
      %get3A_350 = arith.constant 42 : i32
      %get3A_351 = arith.index_cast %get3A_350 : i32 to index
      %get3A_352 = arith.index_cast %mul3A_349 : i32 to index
      %get3A_353 = tpu.vector_load %arg5[%get3A_351, %get3A_352] {strides = array<i32>} : memref<64x512xf32, #tpu.memory_space<vmem>>, vector<1x16xf32>,
      %get3A_354 = vector.shape_cast %get3A_353 : vector<1x16xf32> to vector<16xf32>
      %add3A_355 = arith.addf %add3A_347, %get3A_354 : vector<16xf32>
      %mul3A_356 = arith.constant 16 : i32
      %mul3A_357 = arith.muli %scan3A_10, %mul3A_356 : i32
      %get3A_358 = arith.constant 43 : i32
      %get3A_359 = arith.index_cast %get3A_358 : i32 to index
      %get3A_360 = arith.index_cast %mul3A_357 : i32 to index
      %get3A_361 = tpu.vector_load %arg5[%get3A_359, %get3A_360] {strides = array<i32>} : memref<64x512xf32, #tpu.memory_space<vmem>>, vector<1x16xf32>,
      %get3A_362 = vector.shape_cast %get3A_361 : vector<1x16xf32> to vector<16xf32>
      %add3A_363 = arith.addf %add3A_355, %get3A_362 : vector<16xf32>
      %mul3A_364 = arith.constant 16 : i32
      %mul3A_365 = arith.muli %scan3A_10, %mul3A_364 : i32
      %get3A_366 = arith.constant 44 : i32
      %get3A_367 = arith.index_cast %get3A_366 : i32 to index
      %get3A_368 = arith.index_cast %mul3A_365 : i32 to index
      %get3A_369 = tpu.vector_load %arg5[%get3A_367, %get3A_368] {strides = array<i32>} : memref<64x512xf32, #tpu.memory_space<vmem>>, vector<1x16xf32>,
      %get3A_370 = vector.shape_cast %get3A_369 : vector<1x16xf32> to vector<16xf32>
      %add3A_371 = arith.addf %add3A_363, %get3A_370 : vector<16xf32>
      %mul3A_372 = arith.constant 16 : i32
      %mul3A_373 = arith.muli %scan3A_10, %mul3A_372 : i32
      %get3A_374 = arith.constant 45 : i32
      %get3A_375 = arith.index_cast %get3A_374 : i32 to index
      %get3A_376 = arith.index_cast %mul3A_373 : i32 to index
      %get3A_377 = tpu.vector_load %arg5[%get3A_375, %get3A_376] {strides = array<i32>} : memref<64x512xf32, #tpu.memory_space<vmem>>, vector<1x16xf32>,
      %get3A_378 = vector.shape_cast %get3A_377 : vector<1x16xf32> to vector<16xf32>
      %add3A_379 = arith.addf %add3A_371, %get3A_378 : vector<16xf32>
      %mul3A_380 = arith.constant 16 : i32
      %mul3A_381 = arith.muli %scan3A_10, %mul3A_380 : i32
      %get3A_382 = arith.constant 46 : i32
      %get3A_383 = arith.index_cast %get3A_382 : i32 to index
      %get3A_384 = arith.index_cast %mul3A_381 : i32 to index
      %get3A_385 = tpu.vector_load %arg5[%get3A_383, %get3A_384] {strides = array<i32>} : memref<64x512xf32, #tpu.memory_space<vmem>>, vector<1x16xf32>,
      %get3A_386 = vector.shape_cast %get3A_385 : vector<1x16xf32> to vector<16xf32>
      %add3A_387 = arith.addf %add3A_379, %get3A_386 : vector<16xf32>
      %mul3A_388 = arith.constant 16 : i32
      %mul3A_389 = arith.muli %scan3A_10, %mul3A_388 : i32
      %get3A_390 = arith.constant 47 : i32
      %get3A_391 = arith.index_cast %get3A_390 : i32 to index
      %get3A_392 = arith.index_cast %mul3A_389 : i32 to index
      %get3A_393 = tpu.vector_load %arg5[%get3A_391, %get3A_392] {strides = array<i32>} : memref<64x512xf32, #tpu.memory_space<vmem>>, vector<1x16xf32>,
      %get3A_394 = vector.shape_cast %get3A_393 : vector<1x16xf32> to vector<16xf32>
      %add3A_395 = arith.addf %add3A_387, %get3A_394 : vector<16xf32>
      %mul3A_396 = arith.constant 16 : i32
      %mul3A_397 = arith.muli %scan3A_10, %mul3A_396 : i32
      %get3A_398 = arith.constant 48 : i32
      %get3A_399 = arith.index_cast %get3A_398 : i32 to index
      %get3A_400 = arith.index_cast %mul3A_397 : i32 to index
      %get3A_401 = tpu.vector_load %arg5[%get3A_399, %get3A_400] {strides = array<i32>} : memref<64x512xf32, #tpu.memory_space<vmem>>, vector<1x16xf32>,
      %get3A_402 = vector.shape_cast %get3A_401 : vector<1x16xf32> to vector<16xf32>
      %add3A_403 = arith.addf %add3A_395, %get3A_402 : vector<16xf32>
      %mul3A_404 = arith.constant 16 : i32
      %mul3A_405 = arith.muli %scan3A_10, %mul3A_404 : i32
      %get3A_406 = arith.constant 49 : i32
      %get3A_407 = arith.index_cast %get3A_406 : i32 to index
      %get3A_408 = arith.index_cast %mul3A_405 : i32 to index
      %get3A_409 = tpu.vector_load %arg5[%get3A_407, %get3A_408] {strides = array<i32>} : memref<64x512xf32, #tpu.memory_space<vmem>>, vector<1x16xf32>,
      %get3A_410 = vector.shape_cast %get3A_409 : vector<1x16xf32> to vector<16xf32>
      %add3A_411 = arith.addf %add3A_403, %get3A_410 : vector<16xf32>
      %mul3A_412 = arith.constant 16 : i32
      %mul3A_413 = arith.muli %scan3A_10, %mul3A_412 : i32
      %get3A_414 = arith.constant 50 : i32
      %get3A_415 = arith.index_cast %get3A_414 : i32 to index
      %get3A_416 = arith.index_cast %mul3A_413 : i32 to index
      %get3A_417 = tpu.vector_load %arg5[%get3A_415, %get3A_416] {strides = array<i32>} : memref<64x512xf32, #tpu.memory_space<vmem>>, vector<1x16xf32>,
      %get3A_418 = vector.shape_cast %get3A_417 : vector<1x16xf32> to vector<16xf32>
      %add3A_419 = arith.addf %add3A_411, %get3A_418 : vector<16xf32>
      %mul3A_420 = arith.constant 16 : i32
      %mul3A_421 = arith.muli %scan3A_10, %mul3A_420 : i32
      %get3A_422 = arith.constant 51 : i32
      %get3A_423 = arith.index_cast %get3A_422 : i32 to index
      %get3A_424 = arith.index_cast %mul3A_421 : i32 to index
      %get3A_425 = tpu.vector_load %arg5[%get3A_423, %get3A_424] {strides = array<i32>} : memref<64x512xf32, #tpu.memory_space<vmem>>, vector<1x16xf32>,
      %get3A_426 = vector.shape_cast %get3A_425 : vector<1x16xf32> to vector<16xf32>
      %add3A_427 = arith.addf %add3A_419, %get3A_426 : vector<16xf32>
      %mul3A_428 = arith.constant 16 : i32
      %mul3A_429 = arith.muli %scan3A_10, %mul3A_428 : i32
      %get3A_430 = arith.constant 52 : i32
      %get3A_431 = arith.index_cast %get3A_430 : i32 to index
      %get3A_432 = arith.index_cast %mul3A_429 : i32 to index
      %get3A_433 = tpu.vector_load %arg5[%get3A_431, %get3A_432] {strides = array<i32>} : memref<64x512xf32, #tpu.memory_space<vmem>>, vector<1x16xf32>,
      %get3A_434 = vector.shape_cast %get3A_433 : vector<1x16xf32> to vector<16xf32>
      %add3A_435 = arith.addf %add3A_427, %get3A_434 : vector<16xf32>
      %mul3A_436 = arith.constant 16 : i32
      %mul3A_437 = arith.muli %scan3A_10, %mul3A_436 : i32
      %get3A_438 = arith.constant 53 : i32
      %get3A_439 = arith.index_cast %get3A_438 : i32 to index
      %get3A_440 = arith.index_cast %mul3A_437 : i32 to index
      %get3A_441 = tpu.vector_load %arg5[%get3A_439, %get3A_440] {strides = array<i32>} : memref<64x512xf32, #tpu.memory_space<vmem>>, vector<1x16xf32>,
      %get3A_442 = vector.shape_cast %get3A_441 : vector<1x16xf32> to vector<16xf32>
      %add3A_443 = arith.addf %add3A_435, %get3A_442 : vector<16xf32>
      %mul3A_444 = arith.constant 16 : i32
      %mul3A_445 = arith.muli %scan3A_10, %mul3A_444 : i32
      %get3A_446 = arith.constant 54 : i32
      %get3A_447 = arith.index_cast %get3A_446 : i32 to index
      %get3A_448 = arith.index_cast %mul3A_445 : i32 to index
      %get3A_449 = tpu.vector_load %arg5[%get3A_447, %get3A_448] {strides = array<i32>} : memref<64x512xf32, #tpu.memory_space<vmem>>, vector<1x16xf32>,
      %get3A_450 = vector.shape_cast %get3A_449 : vector<1x16xf32> to vector<16xf32>
      %add3A_451 = arith.addf %add3A_443, %get3A_450 : vector<16xf32>
      %mul3A_452 = arith.constant 16 : i32
      %mul3A_453 = arith.muli %scan3A_10, %mul3A_452 : i32
      %get3A_454 = arith.constant 55 : i32
      %get3A_455 = arith.index_cast %get3A_454 : i32 to index
      %get3A_456 = arith.index_cast %mul3A_453 : i32 to index
      %get3A_457 = tpu.vector_load %arg5[%get3A_455, %get3A_456] {strides = array<i32>} : memref<64x512xf32, #tpu.memory_space<vmem>>, vector<1x16xf32>,
      %get3A_458 = vector.shape_cast %get3A_457 : vector<1x16xf32> to vector<16xf32>
      %add3A_459 = arith.addf %add3A_451, %get3A_458 : vector<16xf32>
      %mul3A_460 = arith.constant 16 : i32
      %mul3A_461 = arith.muli %scan3A_10, %mul3A_460 : i32
      %get3A_462 = arith.constant 56 : i32
      %get3A_463 = arith.index_cast %get3A_462 : i32 to index
      %get3A_464 = arith.index_cast %mul3A_461 : i32 to index
      %get3A_465 = tpu.vector_load %arg5[%get3A_463, %get3A_464] {strides = array<i32>} : memref<64x512xf32, #tpu.memory_space<vmem>>, vector<1x16xf32>,
      %get3A_466 = vector.shape_cast %get3A_465 : vector<1x16xf32> to vector<16xf32>
      %add3A_467 = arith.addf %add3A_459, %get3A_466 : vector<16xf32>
      %mul3A_468 = arith.constant 16 : i32
      %mul3A_469 = arith.muli %scan3A_10, %mul3A_468 : i32
      %get3A_470 = arith.constant 57 : i32
      %get3A_471 = arith.index_cast %get3A_470 : i32 to index
      %get3A_472 = arith.index_cast %mul3A_469 : i32 to index
      %get3A_473 = tpu.vector_load %arg5[%get3A_471, %get3A_472] {strides = array<i32>} : memref<64x512xf32, #tpu.memory_space<vmem>>, vector<1x16xf32>,
      %get3A_474 = vector.shape_cast %get3A_473 : vector<1x16xf32> to vector<16xf32>
      %add3A_475 = arith.addf %add3A_467, %get3A_474 : vector<16xf32>
      %mul3A_476 = arith.constant 16 : i32
      %mul3A_477 = arith.muli %scan3A_10, %mul3A_476 : i32
      %get3A_478 = arith.constant 58 : i32
      %get3A_479 = arith.index_cast %get3A_478 : i32 to index
      %get3A_480 = arith.index_cast %mul3A_477 : i32 to index
      %get3A_481 = tpu.vector_load %arg5[%get3A_479, %get3A_480] {strides = array<i32>} : memref<64x512xf32, #tpu.memory_space<vmem>>, vector<1x16xf32>,
      %get3A_482 = vector.shape_cast %get3A_481 : vector<1x16xf32> to vector<16xf32>
      %add3A_483 = arith.addf %add3A_475, %get3A_482 : vector<16xf32>
      %mul3A_484 = arith.constant 16 : i32
      %mul3A_485 = arith.muli %scan3A_10, %mul3A_484 : i32
      %get3A_486 = arith.constant 59 : i32
      %get3A_487 = arith.index_cast %get3A_486 : i32 to index
      %get3A_488 = arith.index_cast %mul3A_485 : i32 to index
      %get3A_489 = tpu.vector_load %arg5[%get3A_487, %get3A_488] {strides = array<i32>} : memref<64x512xf32, #tpu.memory_space<vmem>>, vector<1x16xf32>,
      %get3A_490 = vector.shape_cast %get3A_489 : vector<1x16xf32> to vector<16xf32>
      %add3A_491 = arith.addf %add3A_483, %get3A_490 : vector<16xf32>
      %mul3A_492 = arith.constant 16 : i32
      %mul3A_493 = arith.muli %scan3A_10, %mul3A_492 : i32
      %get3A_494 = arith.constant 60 : i32
      %get3A_495 = arith.index_cast %get3A_494 : i32 to index
      %get3A_496 = arith.index_cast %mul3A_493 : i32 to index
      %get3A_497 = tpu.vector_load %arg5[%get3A_495, %get3A_496] {strides = array<i32>} : memref<64x512xf32, #tpu.memory_space<vmem>>, vector<1x16xf32>,
      %get3A_498 = vector.shape_cast %get3A_497 : vector<1x16xf32> to vector<16xf32>
      %add3A_499 = arith.addf %add3A_491, %get3A_498 : vector<16xf32>
      %mul3A_500 = arith.constant 16 : i32
      %mul3A_501 = arith.muli %scan3A_10, %mul3A_500 : i32
      %get3A_502 = arith.constant 61 : i32
      %get3A_503 = arith.index_cast %get3A_502 : i32 to index
      %get3A_504 = arith.index_cast %mul3A_501 : i32 to index
      %get3A_505 = tpu.vector_load %arg5[%get3A_503, %get3A_504] {strides = array<i32>} : memref<64x512xf32, #tpu.memory_space<vmem>>, vector<1x16xf32>,
      %get3A_506 = vector.shape_cast %get3A_505 : vector<1x16xf32> to vector<16xf32>
      %add3A_507 = arith.addf %add3A_499, %get3A_506 : vector<16xf32>
      %mul3A_508 = arith.constant 16 : i32
      %mul3A_509 = arith.muli %scan3A_10, %mul3A_508 : i32
      %get3A_510 = arith.constant 62 : i32
      %get3A_511 = arith.index_cast %get3A_510 : i32 to index
      %get3A_512 = arith.index_cast %mul3A_509 : i32 to index
      %get3A_513 = tpu.vector_load %arg5[%get3A_511, %get3A_512] {strides = array<i32>} : memref<64x512xf32, #tpu.memory_space<vmem>>, vector<1x16xf32>,
      %get3A_514 = vector.shape_cast %get3A_513 : vector<1x16xf32> to vector<16xf32>
      %add3A_515 = arith.addf %add3A_507, %get3A_514 : vector<16xf32>
      %mul3A_516 = arith.constant 16 : i32
      %mul3A_517 = arith.muli %scan3A_10, %mul3A_516 : i32
      %get3A_518 = arith.constant 63 : i32
      %get3A_519 = arith.index_cast %get3A_518 : i32 to index
      %get3A_520 = arith.index_cast %mul3A_517 : i32 to index
      %get3A_521 = tpu.vector_load %arg5[%get3A_519, %get3A_520] {strides = array<i32>} : memref<64x512xf32, #tpu.memory_space<vmem>>, vector<1x16xf32>,
      %get3A_522 = vector.shape_cast %get3A_521 : vector<1x16xf32> to vector<16xf32>
      %add3A_523 = arith.addf %add3A_515, %get3A_522 : vector<16xf32>
      %add3A_524 = arith.addf %add3A_523, %get3A_4 : vector<16xf32>
      %neg3A = arith.constant 0.000000e+00 : f32
      %neg3A_525 = vector.broadcast %neg3A : f32 to vector<16xf32>
      %neg3A_526 = arith.subf %neg3A_525, %add3A_524 : vector<16xf32>
      %exp3A = math.exp %neg3A_526 : vector<16xf32>
      %add3A_527 = arith.constant 1.000000e+00 : f32
      %add3A_528 = vector.broadcast %add3A_527 : f32 to vector<16xf32>
      %add3A_529 = arith.addf %add3A_528, %exp3A : vector<16xf32>
      %div3A = arith.constant 1.000000e+00 : f32
      %div3A_530 = vector.broadcast %div3A : f32 to vector<16xf32>
      %div3A_531 = arith.divf %div3A_530, %add3A_529 : vector<16xf32>
      %mul3A_532 = arith.constant 16 : i32
      %mul3A_533 = arith.muli %scan3A_10, %mul3A_532 : i32
      %swap3A = arith.index_cast %mul3A_533 : i32 to index
      %swap3A_534 = tpu.vector_load %arg7[%swap3A] {strides = array<i32>} : memref<512xf32, #tpu.memory_space<vmem>>, vector<16xf32>,
      %swap3A_535 = vector.shape_cast %swap3A_534 : vector<16xf32> to vector<16xf32>
      %swap3A_536 = vector.shape_cast %div3A_531 : vector<16xf32> to vector<16xf32>
      tpu.vector_store %arg7[%swap3A], %swap3A_536 {strides = array<i32>} : memref<512xf32, #tpu.memory_space<vmem>>, vector<16xf32>,
    }
    %scan3A_9 = arith.constant 32 : i32
    "tpu.region"() ({
      %run_scoped3A = tpu.sem_alloc : memref<!tpu.dma_semaphore, #tpu.memory_space<semaphore_mem>>
      %dma_start3A = tpu.memref_slice %arg4[%mul3A_2] : memref<16384xf32, #tpu.memory_space<hbm>> -> memref<512xf32, #tpu.memory_space<hbm>>
      %dma_start3A_10 = tpu.memref_slice %arg4[%mul3A_2] : memref<16384xf32, #tpu.memory_space<hbm>> -> memref<512xf32, #tpu.memory_space<hbm>>
      tpu.enqueue_dma source(%arg7 : memref<512xf32, #tpu.memory_space<vmem>>) target(%dma_start3A_10 : memref<512xf32, #tpu.memory_space<hbm>>) target_semaphore(%run_scoped3A : memref<!tpu.dma_semaphore, #tpu.memory_space<semaphore_mem>>)
      %dma_wait3A = tpu.memref_slice %arg4[%mul3A_2] : memref<16384xf32, #tpu.memory_space<hbm>> -> memref<512xf32, #tpu.memory_space<hbm>>
      %dma_wait3A_11 = tpu.memref_slice %arg4[%mul3A_2] : memref<16384xf32, #tpu.memory_space<hbm>> -> memref<512xf32, #tpu.memory_space<hbm>>
      tpu.wait_dma2 semaphore(%run_scoped3A : memref<!tpu.dma_semaphore, #tpu.memory_space<semaphore_mem>>) src(%arg7 : memref<512xf32, #tpu.memory_space<vmem>>) dst(%dma_wait3A_11 : memref<512xf32, #tpu.memory_space<hbm>>)
      tpu.yield
    }) : () -> ()
    return
  }
}

</mosaic_0001>

<sc_bundles>
// kernel: kernel.4.cloned.1.call-start
scs
__scs_entry_jumppad:
0x0: {  	(pc) =	sbr.rel $0x88, $3  }
0x1: {  	(tag) =	ssettag $0x0;
	lr =	simm.s32 $0x1  }
0x2: {  	[smem:$0x3F9D] =	sst lr;
	_ =	strace $0xD0000000  }
0x3: {  	_ = 	snop  }
0x4: {  	_ = 	snop  }
0x5: {  	_ = 	snop  }
0x6: {  	_ = 	snop  }
0x7: {  	_ = 	snop  }
__scs_overlays_trampoline_lowered:
0x8: {  	[smem:$0x3FAC] =	sst s0  }
0x9: {  	[smem:$0x3FAD] =	sst s1  }
0xa: {  	[smem:$0x3FAE] =	sst s2  }
0xb: {  	[smem:$0x3FAF] =	sst s3  }
0xc: {  	[smem:$0x3FB0] =	sst s4  }
0xd: {  	[smem:$0x3FB1] =	sst s5  }
0xe: {  	[smem:$0x3FB2] =	sst s6  }
0xf: {  	[smem:$0x3FB3] =	sst s7  }
0x10: {  	[smem:$0x3FB4] =	sst s8  }
0x11: {  	[smem:$0x3FB5] =	sst s9;
	s0 =	simm.s32 @!p0 $0x0  }
0x12: {  	s1 =	sld [smem:$0x3F9B];
	s0 =	simm.s32 @p0 $0x1  }
0x13: {  	[smem:$0x3FB6] =	sst s0;
	s0 =	simm.s32 @!p1 $0x0  }
0x14: {  	s2 =	sld [smem:$0x3F9A];
	s0 =	simm.s32 @p1 $0x1  }
0x15: {  	[smem:$0x3FB7] =	sst s0;
	s0 =	simm.s32 @!p2 $0x0  }
0x16: {  	s3 =	sld [smem:$0x3FDB];
	s0 =	simm.s32 @p2 $0x1  }
0x17: {  	s4 =	simm.s32 $0x1BF5;
	[smem:$0x3FB9] =	sst s0  }
0x18: {  	s0 =	sld [smem:$0x3F9C];
	_ =	swait.ge [sflag:s4], $0x0  }
0x19: {  	s7 =	sld [smem:$0x3F9D]  }
0x1a: {  	s8 =	sadd.s32 $0xFFFFE003, lr  }
0x1b: {  	s9 =	sadd.s32 $0xFFFFFEF7, lr;
	s5 =	simm.s32 $0xFFFFFFFF;
	p2 =	slt.u32 s8, $0xFFFFF086  }
0x1c: {  	p1 =	slt.u32 s9, $0xF7A;
	s5 =	simm.s32 @!p2 $0x0  }
0x1d: {  	s5 =	simm.s32 @p1 $0x1;
	p0 =	seq.s32 s7, s2  }
0x1e: {  	s7 =	smul.u32 @!p0 $0xF7A, s2;
	p2 =	seq.s32 @!p0 s5, $0x0  }
0x1f: {  	s9 =	smul.u32 $0xF7A, s1;
	s8 =	simm.s32 @!p0 $0x1BF5;
	p2 =	por !p2, p0  }
0x20: {  	[sflag:s8] =	ssyncset.s32 @!p0 $0xFFFFF086;
	s6 =	sadd.s32 @!p0 s3, s7;
	s7 =	simm.s32 @!p0 $0x108  }
0x21: {  	s3 =	sadd.s32 s3, s9;
	s6 =	sadd.s32 @!p0 $0x88, s6;
	s7 =	simm.s32 @p2 $0x1082  }
0x22: {  	[simem:s7], [sflag:s8] =	dma.local @!p0 [hbm:s6], $0xF7A  }
0x23: {  	s9 =	sor.u32 $0xD0000000, s2;
	s6 =	simm.s32 $0x108;
	_ =	swait.ge @!p0 [sflag:s8], $0x0  }
0x24: {  	s3 =	sadd.s32 $0x88, s3;
	s6 =	simm.s32 @!p1 $0x1082;
	[sflag:s4] =	ssyncset.s32 $0xFFFFF086  }
0x25: {  	[simem:s6], [sflag:s4] =	dma.local [hbm:s3], $0xF7A  }
0x26: {  	[smem:$0x3F9D] =	sst s1;
	(tag) =	ssettag s2;
	_ =	strace s9  }
0x27: {  	s1 =	sld [smem:$0x3FAD]  }
0x28: {  	s2 =	sld [smem:$0x3FAE]  }
0x29: {  	s4 =	sld [smem:$0x3FB0]  }
0x2a: {  	p0 =	seq.s32 s5, $0x0;
	s5 =	sld [smem:$0x3FB1]  }
0x2b: {  	s6 =	sld [smem:$0x3FB2]  }
0x2c: {  	s7 =	sld [smem:$0x3FB3]  }
0x2d: {  	s3 =	simm.s32 $0x108;
	s8 =	sld [smem:$0x3FB4]  }
0x2e: {  	s3 =	simm.s32 @!p0 $0x1082;
	s9 =	sld [smem:$0x3FB5]  }
0x2f: {  	lr =	sadd.s32 s0, s3;
	s0 =	sld [smem:$0x3FAC]  }
0x30: {  	s3 =	sld [smem:$0x3FAF]  }
0x31: {  	[smem:$0x3FB8] =	sst s10  }
0x32: {  	s10 =	sld [smem:$0x3FB6];
	_ =	sdelay $0x3  }
0x33: {  	p0 =	seq.s32 s10, $0x1;
	s10 =	sld [smem:$0x3FB8];
	_ =	sdelay $0x3  }
0x34: {  	[smem:$0x3FB8] =	sst s10  }
0x35: {  	s10 =	sld [smem:$0x3FB7];
	_ =	sdelay $0x3  }
0x36: {  	p1 =	seq.s32 s10, $0x1;
	s10 =	sld [smem:$0x3FB8];
	_ =	sdelay $0x3  }
0x37: {  	[smem:$0x3FB8] =	sst s10  }
0x38: {  	s10 =	sld [smem:$0x3FB9]  }
0x39: {  	_ = 	snop;
	(pc) =	sbr.ind lr, $3  }
0x3a: {  	_ = 	snop  }
0x3b: {  	_ = 	snop  }
0x3c: {  	p2 =	seq.s32 s10, $0x1;
	s10 =	sld [smem:$0x3FB8]  }
0x3d: {  	_ =	shalt  }
0x3e: {  	_ =	shalt  }
0x3f: {  	_ =	shalt  }
0x40: {  	_ =	shalt  }
0x41: {  	_ =	shalt  }
0x42: {  	_ =	shalt  }
0x43: {  	_ =	shalt  }
0x44: {  	_ =	shalt  }
0x45: {  	_ =	shalt  }
0x46: {  	_ =	shalt  }
0x47: {  	_ =	shalt  }
0x48: {  	_ =	shalt  }
0x49: {  	_ =	shalt  }
0x4a: {  	_ =	shalt  }
0x4b: {  	_ =	shalt  }
0x4c: {  	_ =	shalt  }
0x4d: {  	_ =	shalt  }
0x4e: {  	_ =	shalt  }
0x4f: {  	_ =	shalt  }
0x50: {  	_ =	shalt  }
0x51: {  	_ =	shalt  }
0x52: {  	_ =	shalt  }
0x53: {  	_ =	shalt  }
0x54: {  	_ =	shalt  }
0x55: {  	_ =	shalt  }
0x56: {  	_ =	shalt  }
0x57: {  	_ =	shalt  }
0x58: {  	_ =	shalt  }
0x59: {  	_ =	shalt  }
0x5a: {  	_ =	shalt  }
0x5b: {  	_ =	shalt  }
0x5c: {  	_ =	shalt  }
0x5d: {  	_ =	shalt  }
0x5e: {  	_ =	shalt  }
0x5f: {  	_ =	shalt  }
0x60: {  	_ =	shalt  }
0x61: {  	_ =	shalt  }
0x62: {  	_ =	shalt  }
0x63: {  	_ =	shalt  }
0x64: {  	_ =	shalt  }
0x65: {  	_ =	shalt  }
0x66: {  	_ =	shalt  }
0x67: {  	_ =	shalt  }
0x68: {  	_ =	shalt  }
0x69: {  	_ =	shalt  }
0x6a: {  	_ =	shalt  }
0x6b: {  	_ =	shalt  }
0x6c: {  	_ =	shalt  }
0x6d: {  	_ =	shalt  }
0x6e: {  	_ =	shalt  }
0x6f: {  	_ =	shalt  }
0x70: {  	_ =	shalt  }
0x71: {  	_ =	shalt  }
0x72: {  	_ =	shalt  }
0x73: {  	_ =	shalt  }
0x74: {  	_ =	shalt  }
0x75: {  	_ =	shalt  }
0x76: {  	_ =	shalt  }
0x77: {  	_ =	shalt  }
0x78: {  	_ =	shalt  }
0x79: {  	_ =	shalt  }
0x7a: {  	_ =	shalt  }
0x7b: {  	_ =	shalt  }
0x7c: {  	_ =	shalt  }
0x7d: {  	_ =	shalt  }
0x7e: {  	_ =	shalt  }
0x7f: {  	_ =	shalt  }
0x80: {  	_ =	shalt  }
0x81: {  	_ =	shalt  }
0x82: {  	_ =	shalt  }
0x83: {  	_ =	shalt  }
0x84: {  	_ =	shalt  }
0x85: {  	_ =	shalt  }
0x86: {  	_ =	shalt  }
0x87: {  	_ =	shalt  }
.Lfunc_end0:
.L_simem_size_0:
called_computation_lowered:
.L_overlay_start_0:
0x88: {  	s2 =	sld [smem:$0x3FD9]  }
0x89: {  	s3 =	sld [smem:$0x3FFE];
	_ =	sdelay $0x1  }
0x8a: {  	s1 =	srdreg.scid  }
0x8b: {  	s0 =	sand.u32 $0x1, s1  }
0x8c: {  	s17 =	sshll.u32 s0, $0xA;
	s2 =	sadd.s32 s3, s2  }
0x8d: {  	s2 =	sadd.s32 s2, s17  }
0x8e: {  	[smem:$0x3FC4] =	sst s2  }
0x8f: {  	_ = 	snop  }
0x90: {  	s2 =	sld [smem:$0x3FC8]  }
0x91: {  	s18 =	sld [smem:$0x3FC7]  }
0x92: {  	s4 =	sld [smem:$0x3FD0];
	(tm) =	ssettm $0x1  }
0x93: {  	s5 =	sld [smem:$0x3FFB];
	_ =	sdelay $0x3  }
0x94: {  	_ =	strace s5  }
0x95: {  	s5 =	sld [smem:$0x3FFC];
	_ =	sdelay $0x3  }
0x96: {  	_ =	strace s5  }
0x97: {  	s5 =	sld [smem:$0x3FFD];
	_ =	sdelay $0x3  }
0x98: {  	_ =	strace s5  }
0x99: {  	_ =	strace $0x8FFFFFFF  }
0x9a: {  	s19 =	sld [smem:$0x3FDB];
	_ =	sdelay $0x1  }
0x9b: {  	s6 =	simm.s32 $_scs_section_size  }
0x9c: {  	s7 =	simm.s32 $_size__tile_overlayer_lowered;
	s8 =	simm.s32 $_tile_overlayer_lowered  }
0x9d: {  	s22 =	simm.s32 $0x1BFF;
	s21 =	sshll.u32 s8, $0x1;
	s5 =	sadd.s32 s6, s19  }
0x9e: {  	s9 =	simm.s32 $0x0;
	s20 =	sshll.u32 s7, $0x1;
	s7 =	sadd.s32 s21, s5  }
0x9f: {  	[timem:s9], [sflag:s22] =	dma.local [hbm:s7], s20  }
0xa0: {  	_ =	swait.ge [sflag:s22], s20  }
0xa1: {  	s6 =	ssub.s32 $0x0, s20;
	[sflag:s22] =	ssyncset.done $0x0  }
0xa2: {  	[sflag:s22] =	ssyncadd.s32 s6;
	_ =	sdelay $0x1  }
0xa3: {  	s23 =	simm.s32 $0x1B8B  }
0xa4: {  	_ =	swait.ge [sflag:s23], $0x1  }
0xa5: {  	[sflag:s23] =	ssyncset.done $0x0  }
0xa6: {  	s25 =	simm.s32 $0x1B8E;
	s24 =	sld [smem:$0x3FFE];
	[sflag:s23] =	ssyncadd.s32 $0xFFFFFFFF  }
0xa7: {  	s26 =	simm.s32 $execute0_lowered;
	[smem:$0x3FD2] =	sst s25  }
0xa8: {  	s7 =	sshll.u32 s26, $0x1;
	_ =	strace $0x80000046;
	[dreg:$0x1] =	wrdreg $0xFFFFFFFF  }
0xa9: {  	s28 =	simm.s32 $_size_execute0_lowered;
	s5 =	sadd.s32 s5, s7;
	[dreg:$0x0] =	wrdreg $0x0  }
0xaa: {  	s7 =	sshll.u32 s28, $0x1;
	[dreg:$0x2] =	wrdreg s5  }
0xab: {  	[dreg:$0x3] =	wrdreg s7  }
0xac: {  	[dreg:$0x4] =	wrdreg $0xC0  }
0xad: {  	_ =	task [dreg:s9], $0x5FFFF  }
0xae: {  	[dreg:$0x1] =	wrdreg $0xFFFFFFFF  }
0xaf: {  	[dreg:$0x0] =	wrdreg $0x60  }
0xb0: {  	[dreg:$0x2] =	wrdreg s24  }
0xb1: {  	[dreg:$0x3] =	wrdreg s4  }
0xb2: {  	[dreg:$0x4] =	wrdreg s2  }
0xb3: {  	[dreg:$0x5] =	wrdreg s18  }
0xb4: {  	[dreg:$0x6] =	wrdreg $0x9  }
0xb5: {  	_ =	task.clear_ibuf [dreg:s9], $0x7FFFF;
	_ =	strace $0x90000046  }
0xb6: {  	s29 =	simm.s32 $0x9;
	_ =	strace $0x80000048  }
0xb7: {  	_ =	swait.ge [sflag:s29], $0x1  }
0xb8: {  	[sflag:s29] =	ssyncadd.s32 $0xFFFFFFFF  }
0xb9: {  	_ =	strace $0x90000048  }
0xba: {  	_ =	sfence  }
0xbb: {  	s30 =	sld [smem:$0x0];
	_ =	sdelay $0x2  }
0xbc: {  	s31 =	sshll.u32 s1, $0xD;
	s1 =	sshrl.u32 s1, $0x2  }
0xbd: {  	s3 =	sand.u32 $0x4000, s31;
	s1 =	sadd.s32 s1, s30  }
0xbe: {  	s0 =	sor.u32 s3, s0;
	s1 =	sshll.u32 s1, $0x11  }
0xbf: {  	s0 =	sor.u32 s1, s0  }
0xc0: {  	s0 =	sadd.s32 $0x8F2B, s0  }
0xc1: {  	[sflag:s0] =	ssyncadd.remote.s32 $0x1  }
0xc2: {  	_ =	sfence.sel $0xFFFF  }
0xc3: {  	[dreg:$0x0] =	wrdreg $0xFFFFFFFF;
	(pc) =	sbr.abs _section_cstart, $3  }
0xc4: {  	[dreg:$0x1] =	wrdreg $0xFFFFFFFF  }
0xc5: {  	_ =	task.clear_ibuf [dreg:s9], $0x2FFFF;
	_ =	strace $0x9FFFFFFF  }
0xc6: {  	(tm) =	ssettm $0x7FFFFFFF  }
0xc7: {  	_ =	shalt  }
tec
execute0_lowered:
.L_overlay_start_1:
0x0: {  	(tag) =	ssettag $0x1  }
0x1: {  	s10 =	rddreg [dreg:$0x0]  }
0x2: {  	s1 =	rddreg [dreg:$0x1]  }
0x3: {  	s11 =	rddreg [dreg:$0x2]  }
0x4: {  	s12 =	rddreg [dreg:$0x3]  }
0x5: {  	s0 =	rddreg [dreg:$0x4];
	s3 =	simm.s32 $0x0  }
0x6: {  	s4 =	srdreg.scid;
	s2 =	stileid.u32;
	s20 =	simm.s32 $0x18700  }
0x7: {  	s21 =	simm.s32 $0x1A700;
	s22 =	simm.s32 $0x0;
	[smem:$0x7FF] =	sst s3  }
0x8: {  	s5 =	sand.u32 $0x1, s4;
	s29 =	sshll.u32 s2, $0x9;
	s6 =	sshrl.u32 s2, $0x1  }
0x9: {  	s4 =	sadd.s32 $0xA00, s10;
	s15 =	sadd.s32 $0x1200, s10;
	s9 =	sadd.s32 $0x400, s1  }
0xa: {  	s19 =	sadd.s32 $0x3200, s10;
	s7 =	sshll.u32 s5, $0x8;
	s8 =	sand.u32 $0x200, s29  }
0xb: {  	s13 =	smul.u32 $0xC3800, s6;
	_ =	strace $0x80000047;
	s5 =	ssub.s32 $0x2, s5  }
0xc: {  	s16 =	sshll.u32 s6, $0x11;
	s14 =	sor.u32 s7, s8;
	s30 =	sshrl.u32 s5, $0x1  }
0xd: {  	s6 =	sadd.s32 $0xE00, s10;
	s7 =	sor.u32 s13, s14;
	s17 =	ssub.s32 s5, s30  }
0xe: {  	s31 =	sor.u32 s16, s14;
	s14 =	sor.u32 $0x80, s14;
	s7 =	sshrl.u32 s7, $0x3  }
0xf: {  	s18 =	sshrl.u32 s31, $0x3;
	s13 =	sor.u32 s13, s14;
	s14 =	sor.u32 s16, s14  }
0x10: {  	s16 =	simm.s32 $0x80;
	s5 =	sadd.s32 s11, s7;
	s7 =	sadd.s32 s12, s7  }
0x11: {  	s8 =	sadd.s32 s15, s18;
	s10 =	sadd.s32 s18, s19;
	s13 =	sshrl.u32 s13, $0x3  }
0x12: {  	s14 =	sshrl.u32 s14, $0x3;
	s18 =	simm.s32 $0x1;
	s11 =	sadd.s32 s11, s13  }
0x13: {  	s12 =	sadd.s32 s12, s13;
	s13 =	sadd.s32 s15, s14;
	s14 =	sadd.s32 s14, s19  }
0x14: {  	s15 =	smax.u32 s17, $0x1;
	s17 =	simm.s32 $0x400;
	s19 =	simm.s32 $0x1C700  }
.LBB2_1:
0x15: {  	[tilespmem:s3], [sflag:$0x1] =	stream.strided.gather [hbm4b:s5+s16], $0x18700, s17, s16, $0x38;
	[tilespmem:$0x1E700] =	vst v63  }
0x16: {  	_ =	swait.ge [sflag:s18], $0x18700  }
0x17: {  	[sflag:s18] =	ssyncset.done $0x0  }
0x18: {  	[sflag:s18] =	ssyncadd.s32 $0xFFFE7900  }
0x19: {  	[tilespmem:s19], [sflag:$0x1] =	stream.linear.gather [hbm4b:s4+s3], $0x2000, $0x38;
	[tilespmem:$0x1E700] =	vst v63  }
0x1a: {  	_ =	swait.ge [sflag:s18], $0x2000  }
0x1b: {  	s23 =	simm.s32 $0xFFFFFFFC;
	[sflag:s18] =	ssyncset.done $0x0  }
0x1c: {  	s24 =	simm.s32 $0x18720;
	s25 =	simm.s32 $0x1C720;
	[sflag:s18] =	ssyncadd.s32 $0xFFFFE000  }
.LBB2_2:
0x1d: {  	v0 =	vld [tilespmem:s25+$0xFFFFFFE0];
	_ =	sdelay $0x7  }
0x1e: {  	v0 =	vld.idx.msk [tilespmem:v0+s3+$0x0], $0xffff;
	_ =	sdelay $0x4  }
0x1f: {  	[tilespmem:s24+$0xFFFFFFE0] =	vst v0  }
0x20: {  	v0 =	vld [tilespmem:s25+$0xFFFFFFF0];
	_ =	sdelay $0x7  }
0x21: {  	v0 =	vld.idx.msk [tilespmem:v0+s3+$0x0], $0xffff;
	_ =	sdelay $0x4  }
0x22: {  	[tilespmem:s24+$0xFFFFFFF0] =	vst v0  }
0x23: {  	v0 =	vld [tilespmem:s25+$0x0];
	_ =	sdelay $0x7  }
0x24: {  	v0 =	vld.idx.msk [tilespmem:v0+s3+$0x0], $0xffff;
	_ =	sdelay $0x4  }
0x25: {  	[tilespmem:s24+$0x0] =	vst v0  }
0x26: {  	v0 =	vld [tilespmem:s25+$0x10];
	_ =	sdelay $0x6  }
0x27: {  	s23 =	sadd.s32 $0x4, s23  }
0x28: {  	p0 =	slt.u32 s23, $0x1FC;
	v0 =	vld.idx.msk [tilespmem:v0+s3+$0x0], $0xffff  }
.Ltmp0:
0x29: {  	_ = 	snop;
	(pc) =	sbr.rel @p0 .LBB2_2-.Ltmp0, $2  }
0x2a: {  	_ =	sdelay $0x2  }
0x2b: {  	s25 =	sadd.s32 $0x40, s25;
	[tilespmem:s24+$0x10] =	vst v0;
	s24 =	sadd.s32 $0x40, s24  }
0x2c: {  	s23 =	simm.s32 $0x0  }
0x2d: {  	[tilespmem:s19], [sflag:$0x1] =	stream.linear.gather [hbm4b:s6+s23], $0x2000, $0x38;
	[tilespmem:$0x1E700] =	vst v63  }
0x2e: {  	_ =	swait.ge [sflag:s18], $0x2000  }
0x2f: {  	s24 =	simm.s32 $0xFFFFFFFC;
	[sflag:s18] =	ssyncset.done $0x0  }
0x30: {  	s25 =	simm.s32 $0x1C720;
	s26 =	simm.s32 $0x1A730;
	[sflag:s18] =	ssyncadd.s32 $0xFFFFE000  }
.LBB2_4:
0x31: {  	v0 =	vld [tilespmem:s25+$0xFFFFFFE0];
	_ =	sdelay $0x7  }
0x32: {  	v0 =	vld.idx.msk [tilespmem:v0+s3+$0x0], $0xffff;
	_ =	sdelay $0x3  }
0x33: {  	s28 =	sand.u32 $0x1FC0, s23  }
0x34: {  	[tilespmem:s28+$0x1A700] =	vst v0  }
0x35: {  	v0 =	vld [tilespmem:s25+$0xFFFFFFF0];
	_ =	sdelay $0x7  }
0x36: {  	v0 =	vld.idx.msk [tilespmem:v0+s3+$0x0], $0xffff;
	_ =	sdelay $0x4  }
0x37: {  	[tilespmem:s26+$0xFFFFFFE0] =	vst v0  }
0x38: {  	v0 =	vld [tilespmem:s25+$0x0];
	_ =	sdelay $0x7  }
0x39: {  	v0 =	vld.idx.msk [tilespmem:v0+s3+$0x0], $0xffff;
	_ =	sdelay $0x4  }
0x3a: {  	[tilespmem:s26+$0xFFFFFFF0] =	vst v0  }
0x3b: {  	v0 =	vld [tilespmem:s25+$0x10];
	_ =	sdelay $0x6  }
0x3c: {  	s24 =	sadd.s32 $0x4, s24  }
0x3d: {  	p0 =	slt.u32 s24, $0x1FC;
	v0 =	vld.idx.msk [tilespmem:v0+s3+$0x0], $0xffff  }
.Ltmp1:
0x3e: {  	_ = 	snop;
	(pc) =	sbr.rel @p0 .LBB2_4-.Ltmp1, $2  }
0x3f: {  	_ =	sdelay $0x2  }
0x40: {  	s23 =	sadd.s32 $0x40, s23;
	s25 =	sadd.s32 $0x40, s25;
	[tilespmem:s26+$0x0] =	vst v0;
	s26 =	sadd.s32 $0x40, s26  }
0x41: {  	[tilespmem:s3], [sflag:$0x1] =	stream.strided.gather [hbm4b:s7+s16], $0x18700, s17, s16, $0x38;
	[tilespmem:$0x1E700] =	vst v63  }
0x42: {  	_ =	swait.ge [sflag:s18], $0x18700  }
0x43: {  	[sflag:s18] =	ssyncset.done $0x0  }
0x44: {  	[sflag:s18] =	ssyncadd.s32 $0xFFFE7900  }
0x45: {  	[tilespmem:s19], [sflag:$0x1] =	stream.linear.gather [hbm4b:s1+s3], $0x2000, $0x38;
	[tilespmem:$0x1E700] =	vst v63  }
0x46: {  	_ =	swait.ge [sflag:s18], $0x2000  }
0x47: {  	s23 =	simm.s32 $0xFFFFFFFC;
	[sflag:s18] =	ssyncset.done $0x0  }
0x48: {  	s24 =	simm.s32 $0x18720;
	s25 =	simm.s32 $0x1C720;
	[sflag:s18] =	ssyncadd.s32 $0xFFFFE000  }
.LBB2_6:
0x49: {  	v0 =	vld [tilespmem:s25+$0xFFFFFFE0];
	_ =	sdelay $0x6  }
0x4a: {  	v1 =	vld [tilespmem:s24+$0xFFFFFFE0]  }
0x4b: {  	v0 =	vld.idx.msk [tilespmem:v0+s3+$0x0], $0xffff;
	_ =	sdelay $0x4  }
0x4c: {  	v0 =	vmul.f32 v1, v0;
	_ =	sdelay $0x1  }
0x4d: {  	[tilespmem:s24+$0xFFFFFFE0] =	vst v0  }
0x4e: {  	v0 =	vld [tilespmem:s25+$0xFFFFFFF0];
	_ =	sdelay $0x6  }
0x4f: {  	v61 =	vld [tilespmem:s24+$0xFFFFFFF0]  }
0x50: {  	v0 =	vld.idx.msk [tilespmem:v0+s3+$0x0], $0xffff;
	_ =	sdelay $0x4  }
0x51: {  	v0 =	vmul.f32 v61, v0;
	_ =	sdelay $0x1  }
0x52: {  	[tilespmem:s24+$0xFFFFFFF0] =	vst v0  }
0x53: {  	v0 =	vld [tilespmem:s25+$0x0];
	_ =	sdelay $0x6  }
0x54: {  	v62 =	vld [tilespmem:s24+$0x0]  }
0x55: {  	v0 =	vld.idx.msk [tilespmem:v0+s3+$0x0], $0xffff;
	_ =	sdelay $0x4  }
0x56: {  	v0 =	vmul.f32 v62, v0;
	_ =	sdelay $0x1  }
0x57: {  	[tilespmem:s24+$0x0] =	vst v0  }
0x58: {  	v0 =	vld [tilespmem:s25+$0x10];
	_ =	sdelay $0x6  }
0x59: {  	v63 =	vld [tilespmem:s24+$0x10]  }
0x5a: {  	v0 =	vld.idx.msk [tilespmem:v0+s3+$0x0], $0xffff  }
0x5b: {  	s23 =	sadd.s32 $0x4, s23  }
0x5c: {  	p0 =	slt.u32 s23, $0x1FC  }
.Ltmp2:
0x5d: {  	_ = 	snop;
	(pc) =	sbr.rel @p0 .LBB2_6-.Ltmp2, $3  }
0x5e: {  	_ = 	snop  }
0x5f: {  	v0 =	vmul.f32 v63, v0;
	_ =	sdelay $0x1  }
0x60: {  	s25 =	sadd.s32 $0x40, s25;
	[tilespmem:s24+$0x10] =	vst v0;
	s24 =	sadd.s32 $0x40, s24  }
0x61: {  	[hbm4b:s8+s16] =	stream.strided.scatter [tilespmem:s20], [sflag:$0x1], $0x2000, s17, s16, $0x38;
	[tilespmem:$0x1E700] =	vst v63  }
0x62: {  	_ =	swait.ge [sflag:s18], $0x2000  }
0x63: {  	[sflag:s18] =	ssyncset.done $0x0  }
0x64: {  	s23 =	simm.s32 $0x0;
	[sflag:s18] =	ssyncadd.s32 $0xFFFFE000  }
0x65: {  	[tilespmem:s19], [sflag:$0x1] =	stream.linear.gather [hbm4b:s9+s23], $0x2000, $0x38;
	[tilespmem:$0x1E700] =	vst v63  }
0x66: {  	_ =	swait.ge [sflag:s18], $0x2000  }
0x67: {  	s24 =	simm.s32 $0xFFFFFFFC;
	[sflag:s18] =	ssyncset.done $0x0  }
0x68: {  	s25 =	simm.s32 $0x1C720;
	s26 =	simm.s32 $0x1A730;
	[sflag:s18] =	ssyncadd.s32 $0xFFFFE000  }
.LBB2_8:
0x69: {  	v0 =	vld [tilespmem:s25+$0xFFFFFFE0];
	_ =	sdelay $0x5  }
0x6a: {  	s28 =	sand.u32 $0x1FC0, s23  }
0x6b: {  	v1 =	vld [tilespmem:s28+$0x1A700]  }
0x6c: {  	v0 =	vld.idx.msk [tilespmem:v0+s3+$0x0], $0xffff;
	_ =	sdelay $0x4  }
0x6d: {  	v0 =	vmul.f32 v1, v0;
	_ =	sdelay $0x1  }
0x6e: {  	[tilespmem:s28+$0x1A700] =	vst v0  }
0x6f: {  	v0 =	vld [tilespmem:s25+$0xFFFFFFF0];
	_ =	sdelay $0x6  }
0x70: {  	v61 =	vld [tilespmem:s26+$0xFFFFFFE0]  }
0x71: {  	v0 =	vld.idx.msk [tilespmem:v0+s3+$0x0], $0xffff;
	_ =	sdelay $0x4  }
0x72: {  	v0 =	vmul.f32 v61, v0;
	_ =	sdelay $0x1  }
0x73: {  	[tilespmem:s26+$0xFFFFFFE0] =	vst v0  }
0x74: {  	v0 =	vld [tilespmem:s25+$0x0];
	_ =	sdelay $0x6  }
0x75: {  	v62 =	vld [tilespmem:s26+$0xFFFFFFF0]  }
0x76: {  	v0 =	vld.idx.msk [tilespmem:v0+s3+$0x0], $0xffff;
	_ =	sdelay $0x4  }
0x77: {  	v0 =	vmul.f32 v62, v0;
	_ =	sdelay $0x1  }
0x78: {  	[tilespmem:s26+$0xFFFFFFF0] =	vst v0  }
0x79: {  	v0 =	vld [tilespmem:s25+$0x10];
	_ =	sdelay $0x6  }
0x7a: {  	v63 =	vld [tilespmem:s26+$0x0]  }
0x7b: {  	v0 =	vld.idx.msk [tilespmem:v0+s3+$0x0], $0xffff  }
0x7c: {  	s24 =	sadd.s32 $0x4, s24  }
0x7d: {  	p0 =	slt.u32 s24, $0x1FC  }
.Ltmp3:
0x7e: {  	_ = 	snop;
	(pc) =	sbr.rel @p0 .LBB2_8-.Ltmp3, $3  }
0x7f: {  	_ = 	snop  }
0x80: {  	v0 =	vmul.f32 v63, v0;
	_ =	sdelay $0x1  }
0x81: {  	s23 =	sadd.s32 $0x40, s23;
	s25 =	sadd.s32 $0x40, s25;
	[tilespmem:s26+$0x0] =	vst v0;
	s26 =	sadd.s32 $0x40, s26  }
0x82: {  	[hbm4b:s10+s16] =	stream.strided.scatter [tilespmem:s21], [sflag:$0x1], $0x2000, s17, s16, $0x38;
	[tilespmem:$0x1E700] =	vst v63  }
0x83: {  	_ =	swait.ge [sflag:s18], $0x2000  }
0x84: {  	[sflag:s18] =	ssyncset.done $0x0  }
0x85: {  	[sflag:s18] =	ssyncadd.s32 $0xFFFFE000  }
0x86: {  	[tilespmem:s3], [sflag:$0x1] =	stream.strided.gather [hbm4b:s11+s16], $0x18700, s17, s16, $0x38;
	[tilespmem:$0x1E700] =	vst v63  }
0x87: {  	_ =	swait.ge [sflag:s18], $0x18700  }
0x88: {  	[sflag:s18] =	ssyncset.done $0x0  }
0x89: {  	[sflag:s18] =	ssyncadd.s32 $0xFFFE7900  }
0x8a: {  	[tilespmem:s19], [sflag:$0x1] =	stream.linear.gather [hbm4b:s4+s3], $0x2000, $0x38;
	[tilespmem:$0x1E700] =	vst v63  }
0x8b: {  	_ =	swait.ge [sflag:s18], $0x2000  }
0x8c: {  	s23 =	simm.s32 $0xFFFFFFFC;
	[sflag:s18] =	ssyncset.done $0x0  }
0x8d: {  	s24 =	simm.s32 $0x18720;
	s25 =	simm.s32 $0x1C720;
	[sflag:s18] =	ssyncadd.s32 $0xFFFFE000  }
.LBB2_10:
0x8e: {  	v0 =	vld [tilespmem:s25+$0xFFFFFFE0];
	_ =	sdelay $0x7  }
0x8f: {  	v0 =	vld.idx.msk [tilespmem:v0+s3+$0x0], $0xffff;
	_ =	sdelay $0x4  }
0x90: {  	[tilespmem:s24+$0xFFFFFFE0] =	vst v0  }
0x91: {  	v0 =	vld [tilespmem:s25+$0xFFFFFFF0];
	_ =	sdelay $0x7  }
0x92: {  	v0 =	vld.idx.msk [tilespmem:v0+s3+$0x0], $0xffff;
	_ =	sdelay $0x4  }
0x93: {  	[tilespmem:s24+$0xFFFFFFF0] =	vst v0  }
0x94: {  	v0 =	vld [tilespmem:s25+$0x0];
	_ =	sdelay $0x7  }
0x95: {  	v0 =	vld.idx.msk [tilespmem:v0+s3+$0x0], $0xffff;
	_ =	sdelay $0x4  }
0x96: {  	[tilespmem:s24+$0x0] =	vst v0  }
0x97: {  	v0 =	vld [tilespmem:s25+$0x10];
	_ =	sdelay $0x6  }
0x98: {  	s23 =	sadd.s32 $0x4, s23  }
0x99: {  	p0 =	slt.u32 s23, $0x1FC;
	v0 =	vld.idx.msk [tilespmem:v0+s3+$0x0], $0xffff  }
.Ltmp4:
0x9a: {  	_ = 	snop;
	(pc) =	sbr.rel @p0 .LBB2_10-.Ltmp4, $2  }
0x9b: {  	_ =	sdelay $0x2  }
0x9c: {  	s25 =	sadd.s32 $0x40, s25;
	[tilespmem:s24+$0x10] =	vst v0;
	s24 =	sadd.s32 $0x40, s24  }
0x9d: {  	s23 =	simm.s32 $0x0  }
0x9e: {  	[tilespmem:s19], [sflag:$0x1] =	stream.linear.gather [hbm4b:s6+s23], $0x2000, $0x38;
	[tilespmem:$0x1E700] =	vst v63  }
0x9f: {  	_ =	swait.ge [sflag:s18], $0x2000  }
0xa0: {  	s24 =	simm.s32 $0xFFFFFFFC;
	[sflag:s18] =	ssyncset.done $0x0  }
0xa1: {  	s25 =	simm.s32 $0x1C720;
	s26 =	simm.s32 $0x1A730;
	[sflag:s18] =	ssyncadd.s32 $0xFFFFE000  }
.LBB2_12:
0xa2: {  	v0 =	vld [tilespmem:s25+$0xFFFFFFE0];
	_ =	sdelay $0x7  }
0xa3: {  	v0 =	vld.idx.msk [tilespmem:v0+s3+$0x0], $0xffff;
	_ =	sdelay $0x3  }
0xa4: {  	s28 =	sand.u32 $0x1FC0, s23  }
0xa5: {  	[tilespmem:s28+$0x1A700] =	vst v0  }
0xa6: {  	v0 =	vld [tilespmem:s25+$0xFFFFFFF0];
	_ =	sdelay $0x7  }
0xa7: {  	v0 =	vld.idx.msk [tilespmem:v0+s3+$0x0], $0xffff;
	_ =	sdelay $0x4  }
0xa8: {  	[tilespmem:s26+$0xFFFFFFE0] =	vst v0  }
0xa9: {  	v0 =	vld [tilespmem:s25+$0x0];
	_ =	sdelay $0x7  }
0xaa: {  	v0 =	vld.idx.msk [tilespmem:v0+s3+$0x0], $0xffff;
	_ =	sdelay $0x4  }
0xab: {  	[tilespmem:s26+$0xFFFFFFF0] =	vst v0  }
0xac: {  	v0 =	vld [tilespmem:s25+$0x10];
	_ =	sdelay $0x6  }
0xad: {  	s24 =	sadd.s32 $0x4, s24  }
0xae: {  	p0 =	slt.u32 s24, $0x1FC;
	v0 =	vld.idx.msk [tilespmem:v0+s3+$0x0], $0xffff  }
.Ltmp5:
0xaf: {  	_ = 	snop;
	(pc) =	sbr.rel @p0 .LBB2_12-.Ltmp5, $2  }
0xb0: {  	_ =	sdelay $0x2  }
0xb1: {  	s23 =	sadd.s32 $0x40, s23;
	s25 =	sadd.s32 $0x40, s25;
	[tilespmem:s26+$0x0] =	vst v0;
	s26 =	sadd.s32 $0x40, s26  }
0xb2: {  	[tilespmem:s3], [sflag:$0x1] =	stream.strided.gather [hbm4b:s12+s16], $0x18700, s17, s16, $0x38;
	[tilespmem:$0x1E700] =	vst v63  }
0xb3: {  	_ =	swait.ge [sflag:s18], $0x18700  }
0xb4: {  	[sflag:s18] =	ssyncset.done $0x0  }
0xb5: {  	[sflag:s18] =	ssyncadd.s32 $0xFFFE7900  }
0xb6: {  	[tilespmem:s19], [sflag:$0x1] =	stream.linear.gather [hbm4b:s1+s3], $0x2000, $0x38;
	[tilespmem:$0x1E700] =	vst v63  }
0xb7: {  	_ =	swait.ge [sflag:s18], $0x2000  }
0xb8: {  	s23 =	simm.s32 $0xFFFFFFFC;
	[sflag:s18] =	ssyncset.done $0x0  }
0xb9: {  	s24 =	simm.s32 $0x18720;
	s25 =	simm.s32 $0x1C720;
	[sflag:s18] =	ssyncadd.s32 $0xFFFFE000  }
.LBB2_14:
0xba: {  	v0 =	vld [tilespmem:s25+$0xFFFFFFE0];
	_ =	sdelay $0x6  }
0xbb: {  	v1 =	vld [tilespmem:s24+$0xFFFFFFE0]  }
0xbc: {  	v0 =	vld.idx.msk [tilespmem:v0+s3+$0x0], $0xffff;
	_ =	sdelay $0x4  }
0xbd: {  	v0 =	vmul.f32 v1, v0;
	_ =	sdelay $0x1  }
0xbe: {  	[tilespmem:s24+$0xFFFFFFE0] =	vst v0  }
0xbf: {  	v0 =	vld [tilespmem:s25+$0xFFFFFFF0];
	_ =	sdelay $0x6  }
0xc0: {  	v61 =	vld [tilespmem:s24+$0xFFFFFFF0]  }
0xc1: {  	v0 =	vld.idx.msk [tilespmem:v0+s3+$0x0], $0xffff;
	_ =	sdelay $0x4  }
0xc2: {  	v0 =	vmul.f32 v61, v0;
	_ =	sdelay $0x1  }
0xc3: {  	[tilespmem:s24+$0xFFFFFFF0] =	vst v0  }
0xc4: {  	v0 =	vld [tilespmem:s25+$0x0];
	_ =	sdelay $0x6  }
0xc5: {  	v62 =	vld [tilespmem:s24+$0x0]  }
0xc6: {  	v0 =	vld.idx.msk [tilespmem:v0+s3+$0x0], $0xffff;
	_ =	sdelay $0x4  }
0xc7: {  	v0 =	vmul.f32 v62, v0;
	_ =	sdelay $0x1  }
0xc8: {  	[tilespmem:s24+$0x0] =	vst v0  }
0xc9: {  	v0 =	vld [tilespmem:s25+$0x10];
	_ =	sdelay $0x6  }
0xca: {  	v63 =	vld [tilespmem:s24+$0x10]  }
0xcb: {  	v0 =	vld.idx.msk [tilespmem:v0+s3+$0x0], $0xffff  }
0xcc: {  	s23 =	sadd.s32 $0x4, s23  }
0xcd: {  	p0 =	slt.u32 s23, $0x1FC  }
.Ltmp6:
0xce: {  	_ = 	snop;
	(pc) =	sbr.rel @p0 .LBB2_14-.Ltmp6, $3  }
0xcf: {  	_ = 	snop  }
0xd0: {  	v0 =	vmul.f32 v63, v0;
	_ =	sdelay $0x1  }
0xd1: {  	s25 =	sadd.s32 $0x40, s25;
	[tilespmem:s24+$0x10] =	vst v0;
	s24 =	sadd.s32 $0x40, s24  }
0xd2: {  	[hbm4b:s13+s16] =	stream.strided.scatter [tilespmem:s20], [sflag:$0x1], $0x2000, s17, s16, $0x38;
	[tilespmem:$0x1E700] =	vst v63  }
0xd3: {  	_ =	swait.ge [sflag:s18], $0x2000  }
0xd4: {  	[sflag:s18] =	ssyncset.done $0x0  }
0xd5: {  	s23 =	simm.s32 $0x0;
	[sflag:s18] =	ssyncadd.s32 $0xFFFFE000  }
0xd6: {  	[tilespmem:s19], [sflag:$0x1] =	stream.linear.gather [hbm4b:s9+s23], $0x2000, $0x38;
	[tilespmem:$0x1E700] =	vst v63  }
0xd7: {  	_ =	swait.ge [sflag:s18], $0x2000  }
0xd8: {  	s24 =	simm.s32 $0xFFFFFFFC;
	[sflag:s18] =	ssyncset.done $0x0  }
0xd9: {  	s25 =	simm.s32 $0x1C720;
	s26 =	simm.s32 $0x1A730;
	[sflag:s18] =	ssyncadd.s32 $0xFFFFE000  }
.LBB2_16:
0xda: {  	v0 =	vld [tilespmem:s25+$0xFFFFFFE0];
	_ =	sdelay $0x5  }
0xdb: {  	s28 =	sand.u32 $0x1FC0, s23  }
0xdc: {  	v1 =	vld [tilespmem:s28+$0x1A700]  }
0xdd: {  	v0 =	vld.idx.msk [tilespmem:v0+s3+$0x0], $0xffff;
	_ =	sdelay $0x4  }
0xde: {  	v0 =	vmul.f32 v1, v0;
	_ =	sdelay $0x1  }
0xdf: {  	[tilespmem:s28+$0x1A700] =	vst v0  }
0xe0: {  	v0 =	vld [tilespmem:s25+$0xFFFFFFF0];
	_ =	sdelay $0x6  }
0xe1: {  	v61 =	vld [tilespmem:s26+$0xFFFFFFE0]  }
0xe2: {  	v0 =	vld.idx.msk [tilespmem:v0+s3+$0x0], $0xffff;
	_ =	sdelay $0x4  }
0xe3: {  	v0 =	vmul.f32 v61, v0;
	_ =	sdelay $0x1  }
0xe4: {  	[tilespmem:s26+$0xFFFFFFE0] =	vst v0  }
0xe5: {  	v0 =	vld [tilespmem:s25+$0x0];
	_ =	sdelay $0x6  }
0xe6: {  	v62 =	vld [tilespmem:s26+$0xFFFFFFF0]  }
0xe7: {  	v0 =	vld.idx.msk [tilespmem:v0+s3+$0x0], $0xffff;
	_ =	sdelay $0x4  }
0xe8: {  	v0 =	vmul.f32 v62, v0;
	_ =	sdelay $0x1  }
0xe9: {  	[tilespmem:s26+$0xFFFFFFF0] =	vst v0  }
0xea: {  	v0 =	vld [tilespmem:s25+$0x10];
	_ =	sdelay $0x6  }
0xeb: {  	v63 =	vld [tilespmem:s26+$0x0]  }
0xec: {  	v0 =	vld.idx.msk [tilespmem:v0+s3+$0x0], $0xffff  }
0xed: {  	s24 =	sadd.s32 $0x4, s24  }
0xee: {  	p0 =	slt.u32 s24, $0x1FC  }
.Ltmp7:
0xef: {  	_ = 	snop;
	(pc) =	sbr.rel @p0 .LBB2_16-.Ltmp7, $3  }
0xf0: {  	_ = 	snop  }
0xf1: {  	v0 =	vmul.f32 v63, v0;
	_ =	sdelay $0x1  }
0xf2: {  	s23 =	sadd.s32 $0x40, s23;
	s25 =	sadd.s32 $0x40, s25;
	[tilespmem:s26+$0x0] =	vst v0;
	s26 =	sadd.s32 $0x40, s26  }
0xf3: {  	s22 =	sadd.s32 $0x1, s22  }
0xf4: {  	p0 =	sne.s32 s22, s15  }
.Ltmp8:
0xf5: {  	_ = 	snop;
	(pc) =	sbr.rel @p0 .LBB2_1-.Ltmp8, $4  }
0xf6: {  	[hbm4b:s14+s16] =	stream.strided.scatter [tilespmem:s21], [sflag:$0x1], $0x2000, s17, s16, $0x38;
	[tilespmem:$0x1E700] =	vst v63  }
0xf7: {  	_ =	swait.ge [sflag:s18], $0x2000  }
0xf8: {  	[sflag:s18] =	ssyncset.done $0x0  }
0xf9: {  	[sflag:s18] =	ssyncadd.s32 $0xFFFFE000  }
0xfa: {  	_ =	sfence.sel $0x180000  }
0xfb: {  	[bflag:$0x0] =	sbarrier.arrive $0xFFFF  }
0xfc: {  	p0 =	sne.s32 s2, $0x0;
	_ =	strace $0x90000047  }
0xfd: {  	s0 =	sadd.s32 @!p0 $0x100000, s0;
	[bflag:$0x2] =	sbarrier.arrive $0xFFFF  }
0xfe: {  	[sflag:s0] =	ssyncadd.tile.s32 @!p0 $0x1;
	_ =	shalt  }
.Lfunc_end2:
_tile_overlayer_lowered:
.L_overlay_start_2:
0xff: {  	(tag) =	ssettag $0x2  }
0x100: {  	s0 =	rddreg [dreg:$0x0];
	s2 =	stileid.u32  }
0x101: {  	s1 =	rddreg [dreg:$0x1];
	p0 =	sne.s32 s2, $0x0  }
0x102: {  	s3 =	rddreg [dreg:$0x2];
	[bflag:$0x3] =	sbarrier.arrive $0xFFFF;
	s2 =	simm.s32 @!p0 $0x1C01  }
0x103: {  	[timem:s3], [sflag:s2] =	dma.local @!p0 [hbm:s0], s1  }
0x104: {  	s0 =	simm.s32 @!p0 $0x1  }
0x105: {  	_ =	swait.ge @!p0 [sflag:s0], s1  }
0x106: {  	s1 =	ssub.s32 @!p0 $0x0, s1;
	[sflag:s0] =	ssyncset.done @!p0 $0x0  }
0x107: {  	[sflag:s0] =	ssyncadd.s32 @!p0 s1  }
0x108: {  	[bflag:$0x3] =	sbarrier.arrive $0xFFFF  }
0x109: {  	_ =	shalt  }

// kernel: kernel.7.cloned.1.call-start
scs
__scs_entry_jumppad:
0x0: {  	(pc) =	sbr.rel $0x88, $3  }
0x1: {  	(tag) =	ssettag $0x0;
	lr =	simm.s32 $0x1  }
0x2: {  	[smem:$0x3F9D] =	sst lr;
	_ =	strace $0xD0000000  }
0x3: {  	_ = 	snop  }
0x4: {  	_ = 	snop  }
0x5: {  	_ = 	snop  }
0x6: {  	_ = 	snop  }
0x7: {  	_ = 	snop  }
__scs_overlays_trampoline_lowered:
0x8: {  	[smem:$0x3FAC] =	sst s0  }
0x9: {  	[smem:$0x3FAD] =	sst s1  }
0xa: {  	[smem:$0x3FAE] =	sst s2  }
0xb: {  	[smem:$0x3FAF] =	sst s3  }
0xc: {  	[smem:$0x3FB0] =	sst s4  }
0xd: {  	[smem:$0x3FB1] =	sst s5  }
0xe: {  	[smem:$0x3FB2] =	sst s6  }
0xf: {  	[smem:$0x3FB3] =	sst s7  }
0x10: {  	[smem:$0x3FB4] =	sst s8  }
0x11: {  	[smem:$0x3FB5] =	sst s9;
	s0 =	simm.s32 @!p0 $0x0  }
0x12: {  	s1 =	sld [smem:$0x3F9B];
	s0 =	simm.s32 @p0 $0x1  }
0x13: {  	[smem:$0x3FB6] =	sst s0;
	s0 =	simm.s32 @!p1 $0x0  }
0x14: {  	s2 =	sld [smem:$0x3F9A];
	s0 =	simm.s32 @p1 $0x1  }
0x15: {  	[smem:$0x3FB7] =	sst s0;
	s0 =	simm.s32 @!p2 $0x0  }
0x16: {  	s3 =	sld [smem:$0x3FDB];
	s0 =	simm.s32 @p2 $0x1  }
0x17: {  	s4 =	simm.s32 $0x1BF5;
	[smem:$0x3FB9] =	sst s0  }
0x18: {  	s0 =	sld [smem:$0x3F9C];
	_ =	swait.ge [sflag:s4], $0x0  }
0x19: {  	s7 =	sld [smem:$0x3F9D]  }
0x1a: {  	s8 =	sadd.s32 $0xFFFFE003, lr  }
0x1b: {  	s9 =	sadd.s32 $0xFFFFFEF7, lr;
	s5 =	simm.s32 $0xFFFFFFFF;
	p2 =	slt.u32 s8, $0xFFFFF086  }
0x1c: {  	p1 =	slt.u32 s9, $0xF7A;
	s5 =	simm.s32 @!p2 $0x0  }
0x1d: {  	s5 =	simm.s32 @p1 $0x1;
	p0 =	seq.s32 s7, s2  }
0x1e: {  	s7 =	smul.u32 @!p0 $0xF7A, s2;
	p2 =	seq.s32 @!p0 s5, $0x0  }
0x1f: {  	s9 =	smul.u32 $0xF7A, s1;
	s8 =	simm.s32 @!p0 $0x1BF5;
	p2 =	por !p2, p0  }
0x20: {  	[sflag:s8] =	ssyncset.s32 @!p0 $0xFFFFF086;
	s6 =	sadd.s32 @!p0 s3, s7;
	s7 =	simm.s32 @!p0 $0x108  }
0x21: {  	s3 =	sadd.s32 s3, s9;
	s6 =	sadd.s32 @!p0 $0x88, s6;
	s7 =	simm.s32 @p2 $0x1082  }
0x22: {  	[simem:s7], [sflag:s8] =	dma.local @!p0 [hbm:s6], $0xF7A  }
0x23: {  	s9 =	sor.u32 $0xD0000000, s2;
	s6 =	simm.s32 $0x108;
	_ =	swait.ge @!p0 [sflag:s8], $0x0  }
0x24: {  	s3 =	sadd.s32 $0x88, s3;
	s6 =	simm.s32 @!p1 $0x1082;
	[sflag:s4] =	ssyncset.s32 $0xFFFFF086  }
0x25: {  	[simem:s6], [sflag:s4] =	dma.local [hbm:s3], $0xF7A  }
0x26: {  	[smem:$0x3F9D] =	sst s1;
	(tag) =	ssettag s2;
	_ =	strace s9  }
0x27: {  	s1 =	sld [smem:$0x3FAD]  }
0x28: {  	s2 =	sld [smem:$0x3FAE]  }
0x29: {  	s4 =	sld [smem:$0x3FB0]  }
0x2a: {  	p0 =	seq.s32 s5, $0x0;
	s5 =	sld [smem:$0x3FB1]  }
0x2b: {  	s6 =	sld [smem:$0x3FB2]  }
0x2c: {  	s7 =	sld [smem:$0x3FB3]  }
0x2d: {  	s3 =	simm.s32 $0x108;
	s8 =	sld [smem:$0x3FB4]  }
0x2e: {  	s3 =	simm.s32 @!p0 $0x1082;
	s9 =	sld [smem:$0x3FB5]  }
0x2f: {  	lr =	sadd.s32 s0, s3;
	s0 =	sld [smem:$0x3FAC]  }
0x30: {  	s3 =	sld [smem:$0x3FAF]  }
0x31: {  	[smem:$0x3FB8] =	sst s10  }
0x32: {  	s10 =	sld [smem:$0x3FB6];
	_ =	sdelay $0x3  }
0x33: {  	p0 =	seq.s32 s10, $0x1;
	s10 =	sld [smem:$0x3FB8];
	_ =	sdelay $0x3  }
0x34: {  	[smem:$0x3FB8] =	sst s10  }
0x35: {  	s10 =	sld [smem:$0x3FB7];
	_ =	sdelay $0x3  }
0x36: {  	p1 =	seq.s32 s10, $0x1;
	s10 =	sld [smem:$0x3FB8];
	_ =	sdelay $0x3  }
0x37: {  	[smem:$0x3FB8] =	sst s10  }
0x38: {  	s10 =	sld [smem:$0x3FB9]  }
0x39: {  	_ = 	snop;
	(pc) =	sbr.ind lr, $3  }
0x3a: {  	_ = 	snop  }
0x3b: {  	_ = 	snop  }
0x3c: {  	p2 =	seq.s32 s10, $0x1;
	s10 =	sld [smem:$0x3FB8]  }
0x3d: {  	_ =	shalt  }
0x3e: {  	_ =	shalt  }
0x3f: {  	_ =	shalt  }
0x40: {  	_ =	shalt  }
0x41: {  	_ =	shalt  }
0x42: {  	_ =	shalt  }
0x43: {  	_ =	shalt  }
0x44: {  	_ =	shalt  }
0x45: {  	_ =	shalt  }
0x46: {  	_ =	shalt  }
0x47: {  	_ =	shalt  }
0x48: {  	_ =	shalt  }
0x49: {  	_ =	shalt  }
0x4a: {  	_ =	shalt  }
0x4b: {  	_ =	shalt  }
0x4c: {  	_ =	shalt  }
0x4d: {  	_ =	shalt  }
0x4e: {  	_ =	shalt  }
0x4f: {  	_ =	shalt  }
0x50: {  	_ =	shalt  }
0x51: {  	_ =	shalt  }
0x52: {  	_ =	shalt  }
0x53: {  	_ =	shalt  }
0x54: {  	_ =	shalt  }
0x55: {  	_ =	shalt  }
0x56: {  	_ =	shalt  }
0x57: {  	_ =	shalt  }
0x58: {  	_ =	shalt  }
0x59: {  	_ =	shalt  }
0x5a: {  	_ =	shalt  }
0x5b: {  	_ =	shalt  }
0x5c: {  	_ =	shalt  }
0x5d: {  	_ =	shalt  }
0x5e: {  	_ =	shalt  }
0x5f: {  	_ =	shalt  }
0x60: {  	_ =	shalt  }
0x61: {  	_ =	shalt  }
0x62: {  	_ =	shalt  }
0x63: {  	_ =	shalt  }
0x64: {  	_ =	shalt  }
0x65: {  	_ =	shalt  }
0x66: {  	_ =	shalt  }
0x67: {  	_ =	shalt  }
0x68: {  	_ =	shalt  }
0x69: {  	_ =	shalt  }
0x6a: {  	_ =	shalt  }
0x6b: {  	_ =	shalt  }
0x6c: {  	_ =	shalt  }
0x6d: {  	_ =	shalt  }
0x6e: {  	_ =	shalt  }
0x6f: {  	_ =	shalt  }
0x70: {  	_ =	shalt  }
0x71: {  	_ =	shalt  }
0x72: {  	_ =	shalt  }
0x73: {  	_ =	shalt  }
0x74: {  	_ =	shalt  }
0x75: {  	_ =	shalt  }
0x76: {  	_ =	shalt  }
0x77: {  	_ =	shalt  }
0x78: {  	_ =	shalt  }
0x79: {  	_ =	shalt  }
0x7a: {  	_ =	shalt  }
0x7b: {  	_ =	shalt  }
0x7c: {  	_ =	shalt  }
0x7d: {  	_ =	shalt  }
0x7e: {  	_ =	shalt  }
0x7f: {  	_ =	shalt  }
0x80: {  	_ =	shalt  }
0x81: {  	_ =	shalt  }
0x82: {  	_ =	shalt  }
0x83: {  	_ =	shalt  }
0x84: {  	_ =	shalt  }
0x85: {  	_ =	shalt  }
0x86: {  	_ =	shalt  }
0x87: {  	_ =	shalt  }
.Lfunc_end0:
.L_simem_size_0:
called_computation.1_lowered:
.L_overlay_start_0:
0x88: {  	s2 =	sld [smem:$0x3FD9]  }
0x89: {  	s3 =	sld [smem:$0x3FFE];
	_ =	sdelay $0x1  }
0x8a: {  	s1 =	srdreg.scid  }
0x8b: {  	s0 =	sand.u32 $0x1, s1  }
0x8c: {  	s17 =	sshll.u32 s0, $0xA;
	s2 =	sadd.s32 s3, s2  }
0x8d: {  	s2 =	sadd.s32 s2, s17  }
0x8e: {  	[smem:$0x3FC4] =	sst s2  }
0x8f: {  	_ = 	snop  }
0x90: {  	s2 =	sld [smem:$0x3FD0];
	(tm) =	ssettm $0x1  }
0x91: {  	s18 =	sld [smem:$0x3FFB];
	_ =	sdelay $0x3  }
0x92: {  	_ =	strace s18  }
0x93: {  	s3 =	sld [smem:$0x3FFC];
	_ =	sdelay $0x3  }
0x94: {  	_ =	strace s3  }
0x95: {  	s3 =	sld [smem:$0x3FFD];
	_ =	sdelay $0x3  }
0x96: {  	_ =	strace s3  }
0x97: {  	_ =	strace $0x8FFFFFFF  }
0x98: {  	s19 =	sld [smem:$0x3FDB];
	_ =	sdelay $0x1  }
0x99: {  	s4 =	simm.s32 $_scs_section_size  }
0x9a: {  	s5 =	simm.s32 $_size__tile_overlayer_lowered;
	s6 =	simm.s32 $_tile_overlayer_lowered  }
0x9b: {  	s22 =	simm.s32 $0x1BFF;
	s21 =	sshll.u32 s6, $0x1;
	s3 =	sadd.s32 s4, s19  }
0x9c: {  	s7 =	simm.s32 $0x0;
	s20 =	sshll.u32 s5, $0x1;
	s5 =	sadd.s32 s21, s3  }
0x9d: {  	[timem:s7], [sflag:s22] =	dma.local [hbm:s5], s20  }
0x9e: {  	_ =	swait.ge [sflag:s22], s20  }
0x9f: {  	s4 =	ssub.s32 $0x0, s20;
	[sflag:s22] =	ssyncset.done $0x0  }
0xa0: {  	[sflag:s22] =	ssyncadd.s32 s4;
	_ =	sdelay $0x1  }
0xa1: {  	s23 =	simm.s32 $0x1B8B  }
0xa2: {  	_ =	swait.ge [sflag:s23], $0x1  }
0xa3: {  	[sflag:s23] =	ssyncset.done $0x0  }
0xa4: {  	s25 =	simm.s32 $0x1B8E;
	s24 =	sld [smem:$0x3FFE];
	[sflag:s23] =	ssyncadd.s32 $0xFFFFFFFF  }
0xa5: {  	s26 =	simm.s32 $execute0_lowered;
	[smem:$0x3FD2] =	sst s25  }
0xa6: {  	s5 =	sshll.u32 s26, $0x1;
	_ =	strace $0x80000049;
	[dreg:$0x1] =	wrdreg $0xFFFFFFFF  }
0xa7: {  	s28 =	simm.s32 $_size_execute0_lowered;
	s3 =	sadd.s32 s3, s5;
	[dreg:$0x0] =	wrdreg $0x0  }
0xa8: {  	s5 =	sshll.u32 s28, $0x1;
	[dreg:$0x2] =	wrdreg s3  }
0xa9: {  	[dreg:$0x3] =	wrdreg s5  }
0xaa: {  	[dreg:$0x4] =	wrdreg $0xC0  }
0xab: {  	_ =	task [dreg:s7], $0x5FFFF  }
0xac: {  	[dreg:$0x1] =	wrdreg $0xFFFFFFFF  }
0xad: {  	[dreg:$0x0] =	wrdreg $0x60  }
0xae: {  	[dreg:$0x2] =	wrdreg s24  }
0xaf: {  	[dreg:$0x3] =	wrdreg s2  }
0xb0: {  	[dreg:$0x4] =	wrdreg $0x9  }
0xb1: {  	_ =	task.clear_ibuf [dreg:s7], $0x5FFFF;
	_ =	strace $0x90000049  }
0xb2: {  	s29 =	simm.s32 $0x9;
	_ =	strace $0x8000004B  }
0xb3: {  	_ =	swait.ge [sflag:s29], $0x1  }
0xb4: {  	[sflag:s29] =	ssyncadd.s32 $0xFFFFFFFF  }
0xb5: {  	_ =	strace $0x9000004B  }
0xb6: {  	_ =	sfence  }
0xb7: {  	s30 =	sld [smem:$0x0];
	_ =	sdelay $0x2  }
0xb8: {  	s31 =	sshll.u32 s1, $0xD;
	s1 =	sshrl.u32 s1, $0x2  }
0xb9: {  	s3 =	sand.u32 $0x4000, s31;
	s1 =	sadd.s32 s1, s30  }
0xba: {  	s0 =	sor.u32 s3, s0;
	s1 =	sshll.u32 s1, $0x11  }
0xbb: {  	s0 =	sor.u32 s1, s0  }
0xbc: {  	s0 =	sadd.s32 $0x8F2B, s0  }
0xbd: {  	[sflag:s0] =	ssyncadd.remote.s32 $0x1  }
0xbe: {  	_ =	sfence.sel $0xFFFF  }
0xbf: {  	[dreg:$0x0] =	wrdreg $0xFFFFFFFF;
	(pc) =	sbr.abs _section_cstart, $3  }
0xc0: {  	[dreg:$0x1] =	wrdreg $0xFFFFFFFF  }
0xc1: {  	_ =	task.clear_ibuf [dreg:s7], $0x2FFFF;
	_ =	strace $0x9FFFFFFF  }
0xc2: {  	(tm) =	ssettm $0x7FFFFFFF  }
0xc3: {  	_ =	shalt  }
tec
execute0_lowered:
.L_overlay_start_1:
0x0: {  	(tag) =	ssettag $0x1  }
0x1: {  	s3 =	rddreg [dreg:$0x0]  }
0x2: {  	s5 =	rddreg [dreg:$0x1];
	s2 =	srdreg.scid  }
0x3: {  	s0 =	rddreg [dreg:$0x2];
	s1 =	stileid.u32;
	s9 =	simm.s32 $0x1  }
0x4: {  	s10 =	simm.s32 $0x8000;
	s11 =	simm.s32 $0x8080;
	s12 =	simm.s32 $0x0  }
0x5: {  	s4 =	sand.u32 $0x1, s2;
	s2 =	simm.s32 $0x0;
	s6 =	sshll.u32 s1, $0xA  }
0x6: {  	s7 =	sshll.u32 s4, $0x9;
	[smem:$0x7FF] =	sst s2;
	s4 =	ssub.s32 $0x2, s4  }
0x7: {  	s6 =	sor.u32 s7, s6;
	_ =	strace $0x8000004A;
	s8 =	sshrl.u32 s4, $0x1  }
0x8: {  	s7 =	sadd.s32 s6, s3;
	s3 =	sadd.s32 $0xA00, s3;
	s6 =	sshrl.u32 s6, $0x3  }
0x9: {  	s8 =	ssub.s32 s4, s8;
	s4 =	sadd.s32 $0x1200, s7;
	s5 =	sadd.s32 s5, s6  }
0xa: {  	s6 =	smax.u32 s8, $0x1;
	s7 =	simm.s32 $0x1000;
	s8 =	simm.s32 $0x20000  }
.LBB2_1:
0xb: {  	[tilespmem:s2], [sflag:$0x1] =	stream.strided.gather [hbm4b:s4+s7], $0x8000, s8, s7, $0x38;
	[tilespmem:$0x8280] =	vst v63  }
0xc: {  	_ =	swait.ge [sflag:s9], $0x8000  }
0xd: {  	[sflag:s9] =	ssyncset.done $0x0  }
0xe: {  	[sflag:s9] =	ssyncadd.s32 $0xFFFF8000  }
0xf: {  	[tilespmem:s10], [sflag:$0x1] =	stream.linear.gather [hbm4b:s3+s2], $0x80, $0x38;
	[tilespmem:$0x8280] =	vst v63  }
0x10: {  	_ =	swait.ge [sflag:s9], $0x80  }
0x11: {  	s13 =	sand.u32 $0x70, s2;
	s14 =	sand.u32 $0xC00, s2;
	[sflag:s9] =	ssyncset.done $0x0  }
0x12: {  	s13 =	sor.u32 s13, s14;
	[sflag:s9] =	ssyncadd.s32 $0xFFFFFF80  }
0x13: {  	v0 =	vld [tilespmem:s13+$0x0];
	_ =	sdelay $0x1  }
0x14: {  	v1 =	vld [tilespmem:s13+$0x80];
	_ =	sdelay $0x1  }
0x15: {  	v2 =	vld [tilespmem:s13+$0x100]  }
0x16: {  	v0 =	vadd.f32 $0.0e+00, v0  }
0x17: {  	v3 =	vld [tilespmem:s13+$0x180]  }
0x18: {  	v0 =	vadd.f32 v1, v0  }
0x19: {  	v1 =	vld [tilespmem:s13+$0x200]  }
0x1a: {  	v0 =	vadd.f32 v2, v0  }
0x1b: {  	v2 =	vld [tilespmem:s13+$0x280]  }
0x1c: {  	v0 =	vadd.f32 v3, v0  }
0x1d: {  	v3 =	vld [tilespmem:s13+$0x300]  }
0x1e: {  	v0 =	vadd.f32 v1, v0  }
0x1f: {  	v1 =	vld [tilespmem:s13+$0x380]  }
0x20: {  	v0 =	vadd.f32 v2, v0  }
0x21: {  	v2 =	vld [tilespmem:s13+$0x1000]  }
0x22: {  	v0 =	vadd.f32 v3, v0  }
0x23: {  	v3 =	vld [tilespmem:s13+$0x1080]  }
0x24: {  	v0 =	vadd.f32 v1, v0  }
0x25: {  	v1 =	vld [tilespmem:s13+$0x1100]  }
0x26: {  	v0 =	vadd.f32 v2, v0  }
0x27: {  	v2 =	vld [tilespmem:s13+$0x1180]  }
0x28: {  	v0 =	vadd.f32 v3, v0  }
0x29: {  	v3 =	vld [tilespmem:s13+$0x1200]  }
0x2a: {  	v0 =	vadd.f32 v1, v0  }
0x2b: {  	v1 =	vld [tilespmem:s13+$0x1280]  }
0x2c: {  	v0 =	vadd.f32 v2, v0  }
0x2d: {  	v2 =	vld [tilespmem:s13+$0x1300]  }
0x2e: {  	v0 =	vadd.f32 v3, v0  }
0x2f: {  	v3 =	vld [tilespmem:s13+$0x1380]  }
0x30: {  	v0 =	vadd.f32 v1, v0  }
0x31: {  	v1 =	vld [tilespmem:s13+$0x2000]  }
0x32: {  	v0 =	vadd.f32 v2, v0  }
0x33: {  	v2 =	vld [tilespmem:s13+$0x2080]  }
0x34: {  	v0 =	vadd.f32 v3, v0  }
0x35: {  	v3 =	vld [tilespmem:s13+$0x2100]  }
0x36: {  	v0 =	vadd.f32 v1, v0  }
0x37: {  	v1 =	vld [tilespmem:s13+$0x2180]  }
0x38: {  	v0 =	vadd.f32 v2, v0  }
0x39: {  	v2 =	vld [tilespmem:s13+$0x2200]  }
0x3a: {  	v0 =	vadd.f32 v3, v0  }
0x3b: {  	v3 =	vld [tilespmem:s13+$0x2280]  }
0x3c: {  	v0 =	vadd.f32 v1, v0  }
0x3d: {  	v1 =	vld [tilespmem:s13+$0x2300]  }
0x3e: {  	v0 =	vadd.f32 v2, v0  }
0x3f: {  	v2 =	vld [tilespmem:s13+$0x2380]  }
0x40: {  	v0 =	vadd.f32 v3, v0  }
0x41: {  	v3 =	vld [tilespmem:s13+$0x3000]  }
0x42: {  	v0 =	vadd.f32 v1, v0  }
0x43: {  	v1 =	vld [tilespmem:s13+$0x3080]  }
0x44: {  	v0 =	vadd.f32 v2, v0  }
0x45: {  	v2 =	vld [tilespmem:s13+$0x3100]  }
0x46: {  	v0 =	vadd.f32 v3, v0  }
0x47: {  	v3 =	vld [tilespmem:s13+$0x3180]  }
0x48: {  	v0 =	vadd.f32 v1, v0  }
0x49: {  	v1 =	vld [tilespmem:s13+$0x3200]  }
0x4a: {  	v0 =	vadd.f32 v2, v0  }
0x4b: {  	v2 =	vld [tilespmem:s13+$0x3280]  }
0x4c: {  	v0 =	vadd.f32 v3, v0  }
0x4d: {  	v3 =	vld [tilespmem:s13+$0x3300]  }
0x4e: {  	v0 =	vadd.f32 v1, v0  }
0x4f: {  	v1 =	vld [tilespmem:s13+$0x3380]  }
0x50: {  	v0 =	vadd.f32 v2, v0  }
0x51: {  	v2 =	vld [tilespmem:s13+$0x4000]  }
0x52: {  	v0 =	vadd.f32 v3, v0  }
0x53: {  	v3 =	vld [tilespmem:s13+$0x4080]  }
0x54: {  	v0 =	vadd.f32 v1, v0  }
0x55: {  	v1 =	vld [tilespmem:s13+$0x4100]  }
0x56: {  	v0 =	vadd.f32 v2, v0  }
0x57: {  	v2 =	vld [tilespmem:s13+$0x4180]  }
0x58: {  	v0 =	vadd.f32 v3, v0  }
0x59: {  	v3 =	vld [tilespmem:s13+$0x4200]  }
0x5a: {  	v0 =	vadd.f32 v1, v0  }
0x5b: {  	v1 =	vld [tilespmem:s13+$0x4280]  }
0x5c: {  	v0 =	vadd.f32 v2, v0  }
0x5d: {  	v2 =	vld [tilespmem:s13+$0x4300]  }
0x5e: {  	v0 =	vadd.f32 v3, v0  }
0x5f: {  	v3 =	vld [tilespmem:s13+$0x4380]  }
0x60: {  	v0 =	vadd.f32 v1, v0  }
0x61: {  	v1 =	vld [tilespmem:s13+$0x5000]  }
0x62: {  	v0 =	vadd.f32 v2, v0  }
0x63: {  	v2 =	vld [tilespmem:s13+$0x5080]  }
0x64: {  	v0 =	vadd.f32 v3, v0  }
0x65: {  	v3 =	vld [tilespmem:s13+$0x5100]  }
0x66: {  	v0 =	vadd.f32 v1, v0  }
0x67: {  	v1 =	vld [tilespmem:s13+$0x5180]  }
0x68: {  	v0 =	vadd.f32 v2, v0  }
0x69: {  	v2 =	vld [tilespmem:s13+$0x5200]  }
0x6a: {  	v0 =	vadd.f32 v3, v0  }
0x6b: {  	v3 =	vld [tilespmem:s13+$0x5280]  }
0x6c: {  	v0 =	vadd.f32 v1, v0  }
0x6d: {  	v1 =	vld [tilespmem:s13+$0x5300]  }
0x6e: {  	v0 =	vadd.f32 v2, v0  }
0x6f: {  	v2 =	vld [tilespmem:s13+$0x5380]  }
0x70: {  	v0 =	vadd.f32 v3, v0  }
0x71: {  	v3 =	vld [tilespmem:s13+$0x6000]  }
0x72: {  	v0 =	vadd.f32 v1, v0  }
0x73: {  	v1 =	vld [tilespmem:s13+$0x6080]  }
0x74: {  	v0 =	vadd.f32 v2, v0  }
0x75: {  	v2 =	vld [tilespmem:s13+$0x6100]  }
0x76: {  	v0 =	vadd.f32 v3, v0  }
0x77: {  	v3 =	vld [tilespmem:s13+$0x6180]  }
0x78: {  	v0 =	vadd.f32 v1, v0  }
0x79: {  	v1 =	vld [tilespmem:s13+$0x6200]  }
0x7a: {  	v0 =	vadd.f32 v2, v0  }
0x7b: {  	v2 =	vld [tilespmem:s13+$0x6280]  }
0x7c: {  	v0 =	vadd.f32 v3, v0  }
0x7d: {  	v3 =	vld [tilespmem:s13+$0x6300]  }
0x7e: {  	v0 =	vadd.f32 v1, v0  }
0x7f: {  	v1 =	vld [tilespmem:s13+$0x6380]  }
0x80: {  	v0 =	vadd.f32 v2, v0  }
0x81: {  	v2 =	vld [tilespmem:s13+$0x7000]  }
0x82: {  	v0 =	vadd.f32 v3, v0  }
0x83: {  	v3 =	vld [tilespmem:s13+$0x7080]  }
0x84: {  	v0 =	vadd.f32 v1, v0  }
0x85: {  	v1 =	vld [tilespmem:s13+$0x7100]  }
0x86: {  	v0 =	vadd.f32 v2, v0  }
0x87: {  	v2 =	vld [tilespmem:s13+$0x7180]  }
0x88: {  	v0 =	vadd.f32 v3, v0  }
0x89: {  	v3 =	vld [tilespmem:s13+$0x7200]  }
0x8a: {  	v0 =	vadd.f32 v1, v0  }
0x8b: {  	v1 =	vld [tilespmem:s13+$0x7280]  }
0x8c: {  	v0 =	vadd.f32 v2, v0  }
0x8d: {  	v2 =	vld [tilespmem:s13+$0x7300]  }
0x8e: {  	v0 =	vadd.f32 v3, v0  }
0x8f: {  	v3 =	vld [tilespmem:s13+$0x7380]  }
0x90: {  	v1 =	vadd.f32 v1, v0  }
0x91: {  	v0 =	vld [tilespmem:$0x8000]  }
0x92: {  	v1 =	vadd.f32 v2, v1;
	_ =	sdelay $0x1  }
0x93: {  	v1 =	vadd.f32 v3, v1;
	_ =	sdelay $0x1  }
0x94: {  	v1 =	vadd.f32 v1, v0;
	_ =	sdelay $0x1  }
0x95: {  	v1 =	vsub.f32 $0.0e+00, v1;
	_ =	sdelay $0x1  }
0x96: {  	v1 =	vmul.f32 $1.442695020e+00, v1;
	_ =	sdelay $0x1  }
0x97: {  	(erf) = vpow2.f32 v1;
	_ =	sdelay $0x8  }
0x98: {  	v1 =	vpop (erf)  }
0x99: {  	v1 =	vadd.f32 $1.000000000e+00, v1;
	_ =	sdelay $0x1  }
0x9a: {  	(erf) = vrcp.f32 v1;
	_ =	sdelay $0x7  }
0x9b: {  	s31 =	simm.s32 $0x10;
	s15 =	simm.s32 $0x20;
	s14 =	simm.s32 $0x80  }
0x9c: {  	s16 =	sand.u32 $0x70, s31;
	s17 =	sand.u32 $0xC00, s14;
	s13 =	simm.s32 $0x8080;
	v1 =	vpop (erf)  }
.LBB2_2:
0x9d: {  	p0 =	sne.s32 s15, $0x1F0;
	s16 =	sor.u32 s16, s17;
	[tilespmem:s13+$0x0] =	vst v1  }
0x9e: {  	v1 =	vld [tilespmem:s16+$0x0];
	_ =	sdelay $0x1  }
0x9f: {  	v2 =	vld [tilespmem:s16+$0x80];
	_ =	sdelay $0x1  }
0xa0: {  	v3 =	vld [tilespmem:s16+$0x100]  }
0xa1: {  	v1 =	vadd.f32 $0.0e+00, v1  }
0xa2: {  	v4 =	vld [tilespmem:s16+$0x180]  }
0xa3: {  	v1 =	vadd.f32 v2, v1  }
0xa4: {  	v2 =	vld [tilespmem:s16+$0x200]  }
0xa5: {  	v1 =	vadd.f32 v3, v1  }
0xa6: {  	v3 =	vld [tilespmem:s16+$0x280]  }
0xa7: {  	v1 =	vadd.f32 v4, v1  }
0xa8: {  	v4 =	vld [tilespmem:s16+$0x300]  }
0xa9: {  	v1 =	vadd.f32 v2, v1  }
0xaa: {  	v2 =	vld [tilespmem:s16+$0x380]  }
0xab: {  	v1 =	vadd.f32 v3, v1  }
0xac: {  	v3 =	vld [tilespmem:s16+$0x1000]  }
0xad: {  	v1 =	vadd.f32 v4, v1  }
0xae: {  	v4 =	vld [tilespmem:s16+$0x1080]  }
0xaf: {  	v1 =	vadd.f32 v2, v1  }
0xb0: {  	v2 =	vld [tilespmem:s16+$0x1100]  }
0xb1: {  	v1 =	vadd.f32 v3, v1  }
0xb2: {  	v3 =	vld [tilespmem:s16+$0x1180]  }
0xb3: {  	v1 =	vadd.f32 v4, v1  }
0xb4: {  	v4 =	vld [tilespmem:s16+$0x1200]  }
0xb5: {  	v1 =	vadd.f32 v2, v1  }
0xb6: {  	v2 =	vld [tilespmem:s16+$0x1280]  }
0xb7: {  	v1 =	vadd.f32 v3, v1  }
0xb8: {  	v3 =	vld [tilespmem:s16+$0x1300]  }
0xb9: {  	v1 =	vadd.f32 v4, v1  }
0xba: {  	v4 =	vld [tilespmem:s16+$0x1380]  }
0xbb: {  	v1 =	vadd.f32 v2, v1  }
0xbc: {  	v2 =	vld [tilespmem:s16+$0x2000]  }
0xbd: {  	v1 =	vadd.f32 v3, v1  }
0xbe: {  	v3 =	vld [tilespmem:s16+$0x2080]  }
0xbf: {  	v1 =	vadd.f32 v4, v1  }
0xc0: {  	v4 =	vld [tilespmem:s16+$0x2100]  }
0xc1: {  	v1 =	vadd.f32 v2, v1  }
0xc2: {  	v2 =	vld [tilespmem:s16+$0x2180]  }
0xc3: {  	v1 =	vadd.f32 v3, v1  }
0xc4: {  	v3 =	vld [tilespmem:s16+$0x2200]  }
0xc5: {  	v1 =	vadd.f32 v4, v1  }
0xc6: {  	v4 =	vld [tilespmem:s16+$0x2280]  }
0xc7: {  	v1 =	vadd.f32 v2, v1  }
0xc8: {  	v2 =	vld [tilespmem:s16+$0x2300]  }
0xc9: {  	v1 =	vadd.f32 v3, v1  }
0xca: {  	v3 =	vld [tilespmem:s16+$0x2380]  }
0xcb: {  	v1 =	vadd.f32 v4, v1  }
0xcc: {  	v4 =	vld [tilespmem:s16+$0x3000]  }
0xcd: {  	v1 =	vadd.f32 v2, v1  }
0xce: {  	v2 =	vld [tilespmem:s16+$0x3080]  }
0xcf: {  	v1 =	vadd.f32 v3, v1  }
0xd0: {  	v3 =	vld [tilespmem:s16+$0x3100]  }
0xd1: {  	v1 =	vadd.f32 v4, v1  }
0xd2: {  	v4 =	vld [tilespmem:s16+$0x3180]  }
0xd3: {  	v1 =	vadd.f32 v2, v1  }
0xd4: {  	v2 =	vld [tilespmem:s16+$0x3200]  }
0xd5: {  	v1 =	vadd.f32 v3, v1  }
0xd6: {  	v3 =	vld [tilespmem:s16+$0x3280]  }
0xd7: {  	v1 =	vadd.f32 v4, v1  }
0xd8: {  	v4 =	vld [tilespmem:s16+$0x3300]  }
0xd9: {  	v1 =	vadd.f32 v2, v1  }
0xda: {  	v2 =	vld [tilespmem:s16+$0x3380]  }
0xdb: {  	v1 =	vadd.f32 v3, v1  }
0xdc: {  	v3 =	vld [tilespmem:s16+$0x4000]  }
0xdd: {  	v1 =	vadd.f32 v4, v1  }
0xde: {  	v4 =	vld [tilespmem:s16+$0x4080]  }
0xdf: {  	v1 =	vadd.f32 v2, v1  }
0xe0: {  	v2 =	vld [tilespmem:s16+$0x4100]  }
0xe1: {  	v1 =	vadd.f32 v3, v1  }
0xe2: {  	v3 =	vld [tilespmem:s16+$0x4180]  }
0xe3: {  	v1 =	vadd.f32 v4, v1  }
0xe4: {  	v4 =	vld [tilespmem:s16+$0x4200]  }
0xe5: {  	v1 =	vadd.f32 v2, v1  }
0xe6: {  	v2 =	vld [tilespmem:s16+$0x4280]  }
0xe7: {  	v1 =	vadd.f32 v3, v1  }
0xe8: {  	v3 =	vld [tilespmem:s16+$0x4300]  }
0xe9: {  	v1 =	vadd.f32 v4, v1  }
0xea: {  	v4 =	vld [tilespmem:s16+$0x4380]  }
0xeb: {  	v1 =	vadd.f32 v2, v1  }
0xec: {  	v2 =	vld [tilespmem:s16+$0x5000]  }
0xed: {  	v1 =	vadd.f32 v3, v1  }
0xee: {  	v3 =	vld [tilespmem:s16+$0x5080]  }
0xef: {  	v1 =	vadd.f32 v4, v1  }
0xf0: {  	v4 =	vld [tilespmem:s16+$0x5100]  }
0xf1: {  	v1 =	vadd.f32 v2, v1  }
0xf2: {  	v2 =	vld [tilespmem:s16+$0x5180]  }
0xf3: {  	v1 =	vadd.f32 v3, v1  }
0xf4: {  	v3 =	vld [tilespmem:s16+$0x5200]  }
0xf5: {  	v1 =	vadd.f32 v4, v1  }
0xf6: {  	v4 =	vld [tilespmem:s16+$0x5280]  }
0xf7: {  	v1 =	vadd.f32 v2, v1  }
0xf8: {  	v2 =	vld [tilespmem:s16+$0x5300]  }
0xf9: {  	v1 =	vadd.f32 v3, v1  }
0xfa: {  	v3 =	vld [tilespmem:s16+$0x5380]  }
0xfb: {  	v1 =	vadd.f32 v4, v1  }
0xfc: {  	v4 =	vld [tilespmem:s16+$0x6000]  }
0xfd: {  	v1 =	vadd.f32 v2, v1  }
0xfe: {  	v2 =	vld [tilespmem:s16+$0x6080]  }
0xff: {  	v1 =	vadd.f32 v3, v1  }
0x100: {  	v3 =	vld [tilespmem:s16+$0x6100]  }
0x101: {  	v1 =	vadd.f32 v4, v1  }
0x102: {  	v4 =	vld [tilespmem:s16+$0x6180]  }
0x103: {  	v1 =	vadd.f32 v2, v1  }
0x104: {  	v2 =	vld [tilespmem:s16+$0x6200]  }
0x105: {  	v1 =	vadd.f32 v3, v1  }
0x106: {  	v3 =	vld [tilespmem:s16+$0x6280]  }
0x107: {  	v1 =	vadd.f32 v4, v1  }
0x108: {  	v4 =	vld [tilespmem:s16+$0x6300]  }
0x109: {  	v1 =	vadd.f32 v2, v1  }
0x10a: {  	v2 =	vld [tilespmem:s16+$0x6380]  }
0x10b: {  	v1 =	vadd.f32 v3, v1  }
0x10c: {  	v3 =	vld [tilespmem:s16+$0x7000]  }
0x10d: {  	v1 =	vadd.f32 v4, v1  }
0x10e: {  	v4 =	vld [tilespmem:s16+$0x7080]  }
0x10f: {  	v1 =	vadd.f32 v2, v1  }
0x110: {  	v2 =	vld [tilespmem:s16+$0x7100]  }
0x111: {  	v1 =	vadd.f32 v3, v1  }
0x112: {  	v3 =	vld [tilespmem:s16+$0x7180]  }
0x113: {  	v1 =	vadd.f32 v4, v1  }
0x114: {  	v4 =	vld [tilespmem:s16+$0x7200]  }
0x115: {  	v1 =	vadd.f32 v2, v1  }
0x116: {  	v2 =	vld [tilespmem:s16+$0x7280]  }
0x117: {  	v1 =	vadd.f32 v3, v1  }
0x118: {  	v3 =	vld [tilespmem:s16+$0x7300]  }
0x119: {  	v1 =	vadd.f32 v4, v1  }
0x11a: {  	v4 =	vld [tilespmem:s16+$0x7380]  }
0x11b: {  	v1 =	vadd.f32 v2, v1;
	_ =	sdelay $0x1  }
0x11c: {  	v1 =	vadd.f32 v3, v1;
	_ =	sdelay $0x1  }
0x11d: {  	v1 =	vadd.f32 v4, v1;
	_ =	sdelay $0x1  }
0x11e: {  	v1 =	vadd.f32 v1, v0;
	_ =	sdelay $0x1  }
0x11f: {  	v1 =	vsub.f32 $0.0e+00, v1;
	_ =	sdelay $0x1  }
0x120: {  	v1 =	vmul.f32 $1.442695020e+00, v1;
	_ =	sdelay $0x1  }
0x121: {  	(erf) = vpow2.f32 v1;
	_ =	sdelay $0x8  }
0x122: {  	v1 =	vpop (erf)  }
0x123: {  	v1 =	vadd.f32 $1.000000000e+00, v1;
	_ =	sdelay $0x1  }
0x124: {  	(erf) = vrcp.f32 v1;
	_ =	sdelay $0x4  }
.Ltmp0:
0x125: {  	(pc) =	sbr.rel @p0 .LBB2_2-.Ltmp0, $3  }
0x126: {  	_ =	sdelay $0x1  }
0x127: {  	s14 =	sadd.s32 $0x80, s14;
	s13 =	sadd.s32 $0x10, s13  }
0x128: {  	s17 =	sand.u32 $0xC00, s14;
	s16 =	sand.u32 $0x70, s15;
	s15 =	sadd.s32 $0x10, s15;
	v1 =	vpop (erf)  }
0x129: {  	s14 =	sor.u32 s16, s17;
	[tilespmem:s13+$0x0] =	vst v1  }
0x12a: {  	v1 =	vld [tilespmem:s14+$0x0];
	_ =	sdelay $0x1  }
0x12b: {  	v2 =	vld [tilespmem:s14+$0x80];
	_ =	sdelay $0x1  }
0x12c: {  	v3 =	vld [tilespmem:s14+$0x100]  }
0x12d: {  	v1 =	vadd.f32 $0.0e+00, v1  }
0x12e: {  	v4 =	vld [tilespmem:s14+$0x180]  }
0x12f: {  	v1 =	vadd.f32 v2, v1  }
0x130: {  	v60 =	vld [tilespmem:s14+$0x200]  }
0x131: {  	v1 =	vadd.f32 v3, v1  }
0x132: {  	v61 =	vld [tilespmem:s14+$0x280]  }
0x133: {  	v1 =	vadd.f32 v4, v1  }
0x134: {  	v62 =	vld [tilespmem:s14+$0x300]  }
0x135: {  	v1 =	vadd.f32 v60, v1  }
0x136: {  	v63 =	vld [tilespmem:s14+$0x380]  }
0x137: {  	v1 =	vadd.f32 v61, v1  }
0x138: {  	v8 =	vld [tilespmem:s14+$0x1000]  }
0x139: {  	v1 =	vadd.f32 v62, v1  }
0x13a: {  	v9 =	vld [tilespmem:s14+$0x1080]  }
0x13b: {  	v1 =	vadd.f32 v63, v1  }
0x13c: {  	v10 =	vld [tilespmem:s14+$0x1100]  }
0x13d: {  	v1 =	vadd.f32 v8, v1  }
0x13e: {  	v11 =	vld [tilespmem:s14+$0x1180]  }
0x13f: {  	v1 =	vadd.f32 v9, v1  }
0x140: {  	v12 =	vld [tilespmem:s14+$0x1200]  }
0x141: {  	v1 =	vadd.f32 v10, v1  }
0x142: {  	v13 =	vld [tilespmem:s14+$0x1280]  }
0x143: {  	v1 =	vadd.f32 v11, v1  }
0x144: {  	v14 =	vld [tilespmem:s14+$0x1300]  }
0x145: {  	v1 =	vadd.f32 v12, v1  }
0x146: {  	v15 =	vld [tilespmem:s14+$0x1380]  }
0x147: {  	v1 =	vadd.f32 v13, v1  }
0x148: {  	v16 =	vld [tilespmem:s14+$0x2000]  }
0x149: {  	v1 =	vadd.f32 v14, v1  }
0x14a: {  	v17 =	vld [tilespmem:s14+$0x2080]  }
0x14b: {  	v1 =	vadd.f32 v15, v1  }
0x14c: {  	v18 =	vld [tilespmem:s14+$0x2100]  }
0x14d: {  	v1 =	vadd.f32 v16, v1  }
0x14e: {  	v19 =	vld [tilespmem:s14+$0x2180]  }
0x14f: {  	v1 =	vadd.f32 v17, v1  }
0x150: {  	v20 =	vld [tilespmem:s14+$0x2200]  }
0x151: {  	v1 =	vadd.f32 v18, v1  }
0x152: {  	v21 =	vld [tilespmem:s14+$0x2280]  }
0x153: {  	v1 =	vadd.f32 v19, v1  }
0x154: {  	v22 =	vld [tilespmem:s14+$0x2300]  }
0x155: {  	v1 =	vadd.f32 v20, v1  }
0x156: {  	v23 =	vld [tilespmem:s14+$0x2380]  }
0x157: {  	v1 =	vadd.f32 v21, v1  }
0x158: {  	v24 =	vld [tilespmem:s14+$0x3000]  }
0x159: {  	v1 =	vadd.f32 v22, v1  }
0x15a: {  	v25 =	vld [tilespmem:s14+$0x3080]  }
0x15b: {  	v1 =	vadd.f32 v23, v1  }
0x15c: {  	v26 =	vld [tilespmem:s14+$0x3100]  }
0x15d: {  	v1 =	vadd.f32 v24, v1  }
0x15e: {  	v27 =	vld [tilespmem:s14+$0x3180]  }
0x15f: {  	v1 =	vadd.f32 v25, v1  }
0x160: {  	v28 =	vld [tilespmem:s14+$0x3200]  }
0x161: {  	v1 =	vadd.f32 v26, v1  }
0x162: {  	v29 =	vld [tilespmem:s14+$0x3280]  }
0x163: {  	v1 =	vadd.f32 v27, v1  }
0x164: {  	v30 =	vld [tilespmem:s14+$0x3300]  }
0x165: {  	v1 =	vadd.f32 v28, v1  }
0x166: {  	v31 =	vld [tilespmem:s14+$0x3380]  }
0x167: {  	v1 =	vadd.f32 v29, v1  }
0x168: {  	v32 =	vld [tilespmem:s14+$0x4000]  }
0x169: {  	v1 =	vadd.f32 v30, v1  }
0x16a: {  	v33 =	vld [tilespmem:s14+$0x4080]  }
0x16b: {  	v1 =	vadd.f32 v31, v1  }
0x16c: {  	v34 =	vld [tilespmem:s14+$0x4100]  }
0x16d: {  	v1 =	vadd.f32 v32, v1  }
0x16e: {  	v35 =	vld [tilespmem:s14+$0x4180]  }
0x16f: {  	v1 =	vadd.f32 v33, v1  }
0x170: {  	v36 =	vld [tilespmem:s14+$0x4200]  }
0x171: {  	v1 =	vadd.f32 v34, v1  }
0x172: {  	v37 =	vld [tilespmem:s14+$0x4280]  }
0x173: {  	v1 =	vadd.f32 v35, v1  }
0x174: {  	v38 =	vld [tilespmem:s14+$0x4300]  }
0x175: {  	v1 =	vadd.f32 v36, v1  }
0x176: {  	v39 =	vld [tilespmem:s14+$0x4380]  }
0x177: {  	v1 =	vadd.f32 v37, v1  }
0x178: {  	v40 =	vld [tilespmem:s14+$0x5000]  }
0x179: {  	v1 =	vadd.f32 v38, v1  }
0x17a: {  	v41 =	vld [tilespmem:s14+$0x5080]  }
0x17b: {  	v1 =	vadd.f32 v39, v1  }
0x17c: {  	v42 =	vld [tilespmem:s14+$0x5100]  }
0x17d: {  	v1 =	vadd.f32 v40, v1  }
0x17e: {  	v43 =	vld [tilespmem:s14+$0x5180]  }
0x17f: {  	v1 =	vadd.f32 v41, v1  }
0x180: {  	v44 =	vld [tilespmem:s14+$0x5200]  }
0x181: {  	v1 =	vadd.f32 v42, v1  }
0x182: {  	v45 =	vld [tilespmem:s14+$0x5280]  }
0x183: {  	v1 =	vadd.f32 v43, v1  }
0x184: {  	v46 =	vld [tilespmem:s14+$0x5300]  }
0x185: {  	v1 =	vadd.f32 v44, v1  }
0x186: {  	v47 =	vld [tilespmem:s14+$0x5380]  }
0x187: {  	v1 =	vadd.f32 v45, v1  }
0x188: {  	v48 =	vld [tilespmem:s14+$0x6000]  }
0x189: {  	v1 =	vadd.f32 v46, v1  }
0x18a: {  	v49 =	vld [tilespmem:s14+$0x6080]  }
0x18b: {  	v1 =	vadd.f32 v47, v1  }
0x18c: {  	v50 =	vld [tilespmem:s14+$0x6100]  }
0x18d: {  	v1 =	vadd.f32 v48, v1  }
0x18e: {  	v51 =	vld [tilespmem:s14+$0x6180]  }
0x18f: {  	v1 =	vadd.f32 v49, v1  }
0x190: {  	v52 =	vld [tilespmem:s14+$0x6200]  }
0x191: {  	v1 =	vadd.f32 v50, v1  }
0x192: {  	v53 =	vld [tilespmem:s14+$0x6280]  }
0x193: {  	v1 =	vadd.f32 v51, v1  }
0x194: {  	v54 =	vld [tilespmem:s14+$0x6300]  }
0x195: {  	v1 =	vadd.f32 v52, v1  }
0x196: {  	v55 =	vld [tilespmem:s14+$0x6380]  }
0x197: {  	v1 =	vadd.f32 v53, v1  }
0x198: {  	v56 =	vld [tilespmem:s14+$0x7000]  }
0x199: {  	v1 =	vadd.f32 v54, v1  }
0x19a: {  	v57 =	vld [tilespmem:s14+$0x7080]  }
0x19b: {  	v1 =	vadd.f32 v55, v1  }
0x19c: {  	v58 =	vld [tilespmem:s14+$0x7100]  }
0x19d: {  	v1 =	vadd.f32 v56, v1  }
0x19e: {  	v59 =	vld [tilespmem:s14+$0x7180]  }
0x19f: {  	v1 =	vadd.f32 v57, v1  }
0x1a0: {  	v60 =	vld [tilespmem:s14+$0x7200]  }
0x1a1: {  	v1 =	vadd.f32 v58, v1  }
0x1a2: {  	v61 =	vld [tilespmem:s14+$0x7280]  }
0x1a3: {  	v1 =	vadd.f32 v59, v1  }
0x1a4: {  	v62 =	vld [tilespmem:s14+$0x7300]  }
0x1a5: {  	v1 =	vadd.f32 v60, v1  }
0x1a6: {  	v63 =	vld [tilespmem:s14+$0x7380]  }
0x1a7: {  	v1 =	vadd.f32 v61, v1;
	_ =	sdelay $0x1  }
0x1a8: {  	v1 =	vadd.f32 v62, v1;
	_ =	sdelay $0x1  }
0x1a9: {  	v1 =	vadd.f32 v63, v1;
	_ =	sdelay $0x1  }
0x1aa: {  	v0 =	vadd.f32 v1, v0;
	_ =	sdelay $0x1  }
0x1ab: {  	v0 =	vsub.f32 $0.0e+00, v0;
	_ =	sdelay $0x1  }
0x1ac: {  	v0 =	vmul.f32 $1.442695020e+00, v0;
	_ =	sdelay $0x1  }
0x1ad: {  	(erf) = vpow2.f32 v0;
	_ =	sdelay $0x8  }
0x1ae: {  	v0 =	vpop (erf)  }
0x1af: {  	v0 =	vadd.f32 $1.000000000e+00, v0;
	_ =	sdelay $0x1  }
0x1b0: {  	(erf) = vrcp.f32 v0;
	_ =	sdelay $0x7  }
0x1b1: {  	s12 =	sadd.s32 $0x1, s12  }
0x1b2: {  	s31 =	sadd.s32 $0x10, s13;
	p0 =	sne.s32 s12, s6;
	v0 =	vpop (erf)  }
.Ltmp1:
0x1b3: {  	[tilespmem:s31+$0x0] =	vst v0;
	(pc) =	sbr.rel @p0 .LBB2_1-.Ltmp1, $4  }
0x1b4: {  	[hbm4b:s5+s2] =	stream.linear.scatter [tilespmem:s11], [sflag:$0x1], $0x200, $0x38;
	[tilespmem:$0x8280] =	vst v63  }
0x1b5: {  	_ =	swait.ge [sflag:s9], $0x200  }
0x1b6: {  	[sflag:s9] =	ssyncset.done $0x0  }
0x1b7: {  	[sflag:s9] =	ssyncadd.s32 $0xFFFFFE00  }
0x1b8: {  	_ =	sfence.sel $0x180000  }
0x1b9: {  	[bflag:$0x0] =	sbarrier.arrive $0xFFFF  }
0x1ba: {  	p0 =	sne.s32 s1, $0x0;
	_ =	strace $0x9000004A  }
0x1bb: {  	s0 =	sadd.s32 @!p0 $0x100000, s0;
	[bflag:$0x2] =	sbarrier.arrive $0xFFFF  }
0x1bc: {  	[sflag:s0] =	ssyncadd.tile.s32 @!p0 $0x1;
	_ =	shalt  }
.Lfunc_end2:
_tile_overlayer_lowered:
.L_overlay_start_2:
0x1bd: {  	(tag) =	ssettag $0x2  }
0x1be: {  	s0 =	rddreg [dreg:$0x0];
	s2 =	stileid.u32  }
0x1bf: {  	s1 =	rddreg [dreg:$0x1];
	p0 =	sne.s32 s2, $0x0  }
0x1c0: {  	s3 =	rddreg [dreg:$0x2];
	[bflag:$0x3] =	sbarrier.arrive $0xFFFF;
	s2 =	simm.s32 @!p0 $0x1C01  }
0x1c1: {  	[timem:s3], [sflag:s2] =	dma.local @!p0 [hbm:s0], s1  }
0x1c2: {  	s0 =	simm.s32 @!p0 $0x1  }
0x1c3: {  	_ =	swait.ge @!p0 [sflag:s0], s1  }
0x1c4: {  	s1 =	ssub.s32 @!p0 $0x0, s1;
	[sflag:s0] =	ssyncset.done @!p0 $0x0  }
0x1c5: {  	[sflag:s0] =	ssyncadd.s32 @!p0 s1  }
0x1c6: {  	[bflag:$0x3] =	sbarrier.arrive $0xFFFF  }
0x1c7: {  	_ =	shalt  }

</sc_bundles>
